<compile_context>
chip_gen: v7x
topology: tpu7x:2x2x1
jax: 0.10.2.dev20260603
libtpu: 0.0.44.dev20260713+nightly
codegen_flags: <defaults>
</compile_context>

<pallas_src>
import functools

import jax
import jax.numpy as jnp
from jax import lax
from jax.experimental import pallas as pl
from jax.experimental.pallas import tpu as pltpu
from jax.experimental.pallas import tpu_sc as plsc

N, D, K = 4096, 64, 512
BLKN = 1024
NW = 32
RPS = K // NW
BIG = 1 << 30


def _tc_dist_body(xt_ref, ct_ref, d2t_ref, out_min_ref):
    xb = xt_ref[...]
    ct = ct_ref[...]
    g = lax.dot_general(
        ct, xb, (((0,), (0,)), ((), ())),
        preferred_element_type=jnp.float32,
        precision=lax.Precision.HIGHEST,
    )
    cn = jnp.sum(ct * ct, axis=0)
    xn = jnp.sum(xb * xb, axis=0)
    d2t = cn[:, None] + xn[None, :] - 2.0 * g
    d2t_ref[...] = d2t
    out_min_ref[...] = jnp.sqrt(jnp.maximum(jnp.min(d2t, axis=0), 0.0))


def _tc_dist(xt, ct):
    return pl.pallas_call(
        _tc_dist_body,
        grid=(N // BLKN,),
        in_specs=[
            pl.BlockSpec((D, BLKN), lambda i: (0, i)),
            pl.BlockSpec((D, K), lambda i: (0, 0)),
        ],
        out_specs=[
            pl.BlockSpec((K, BLKN), lambda i: (0, i)),
            pl.BlockSpec((BLKN,), lambda i: (i,)),
        ],
        out_shape=[
            jax.ShapeDtypeStruct((K, N), jnp.float32),
            jax.ShapeDtypeStruct((N,), jnp.float32),
        ],
        compiler_params=pltpu.CompilerParams(
            dimension_semantics=("parallel",),
        ),
    )(xt, ct)


RH = RPS // 2


def _sc_argmin_body(d2t_hbm, oidx_hbm, buf_v, out_v, sem_a, sem_b):
    cid = lax.axis_index("c")
    sid = lax.axis_index("s")
    wid = sid * 2 + cid
    r0 = wid * RPS

    sems = (sem_a, sem_b)
    copies = [
        pltpu.async_copy(
            d2t_hbm.at[pl.ds(r0 + q * RH, RH), :], buf_v.at[q], sems[q]
        )
        for q in range(2)
    ]
    iota16 = lax.iota(jnp.int32, 16)

    def lane_gather(a, perm):
        dn = lax.GatherDimensionNumbers(
            offset_dims=(), collapsed_slice_dims=(0,), start_index_map=(0,))
        return lax.gather(a, perm[:, None], dn, (1,),
                          mode=lax.GatherScatterMode.PROMISE_IN_BOUNDS)

    def row_scan(cur, r):
        def t_loop(t, carry):
            cbv, cbi = carry
            for u in range(16):
                tt = t * 16 + u
                v = buf_v[cur, r, pl.ds(tt * 16, 16)]
                tb = jnp.full((16,), tt, dtype=jnp.int32)
                m = v < cbv
                cbv = jnp.minimum(v, cbv)
                cbi = jnp.where(m, tb, cbi)
            return cbv, cbi

        bv = jnp.full((16,), jnp.inf, dtype=jnp.float32)
        bi = jnp.full((16,), BIG, dtype=jnp.int32)
        bv, bi = lax.fori_loop(0, N // 256, t_loop, (bv, bi))
        bi = bi * 16 + iota16
        for s in (8, 4, 2, 1):
            perm = jnp.bitwise_xor(iota16, s)
            ov = lane_gather(bv, perm)
            oi = lane_gather(bi, perm)
            take = (ov < bv) | ((ov == bv) & (oi < bi))
            bv = jnp.where(take, ov, bv)
            bi = jnp.where(take, oi, bi)
        return bi

    outv = jnp.full((16,), BIG, dtype=jnp.int32)
    for q in range(2):
        copies[q].wait()

        def chunk_rows(r, outv, q=q):
            return jnp.where(iota16 == (r + q * RH), row_scan(q, r), outv)

        outv = lax.fori_loop(0, RH, chunk_rows, outv)
    out_v[...] = outv
    pltpu.sync_copy(out_v, oidx_hbm.at[pl.ds(r0, RPS)])


@functools.partial(
    pl.kernel,
    out_type=jax.ShapeDtypeStruct((K,), jnp.int32),
    mesh=plsc.VectorSubcoreMesh(core_axis_name="c", subcore_axis_name="s"),
    scratch_types=[
        pltpu.VMEM((2, RH, N), jnp.float32),
        pltpu.VMEM((16,), jnp.int32),
        pltpu.SemaphoreType.DMA,
        pltpu.SemaphoreType.DMA,
    ],
)
def _sc_argmin(d2t_hbm, oidx_hbm, buf_v, out_v, sem_a, sem_b):
    _sc_argmin_body(d2t_hbm, oidx_hbm, buf_v, out_v, sem_a, sem_b)


@jax.jit
def kernel(x, centers):
    d2t, out_min = _tc_dist(x.T, centers.T)
    out_idx = _sc_argmin(d2t)
    return out_idx, out_min, centers

# --- scband reference (transcript-rebuilt; emitter-appended) ---
"""Pipeline reference for scband-euc-cluster-10694468567400 (READ-ONLY COPY).

The authoritative reference and input builder live on the scoring server;
editing this copy changes nothing except your own understanding.
"""

import jax, jax.numpy as jnp
import numpy as np

N, D, K = 4096, 64, 512


def pairwise_sqeuc_dists(x, y):
    n = x.shape[0]
    m = y.shape[0]
    x_exp = jnp.expand_dims(x, axis=1).repeat(m, axis=1).reshape(n * m, -1)
    y_exp = jnp.expand_dims(y, axis=0).repeat(n, axis=0).reshape(n * m, -1)
    return jnp.sum(jnp.power(x_exp - y_exp, 2), axis=1).reshape(n, m)


def setup_inputs(seed: int = 0) -> dict:
    key = jax.random.key(seed)
    kx, kc = jax.random.split(key)
    x = jax.random.normal(kx, (N, D), dtype=jnp.float32)
    # learned param 'centers', flax default init nn.initializers.normal() => stddev 1e-2
    centers = jax.random.normal(kc, (K, D), dtype=jnp.float32) * 0.01
    return {"x": x, "centers": centers}


def reference(x, centers):
    dists = jnp.sqrt(pairwise_sqeuc_dists(x, centers))
    return (jnp.argmin(dists, axis=0), jnp.min(dists, axis=1), centers)

if __name__ == "__main__":
    import jax
    _d = setup_inputs()
    print(jax.jit(kernel)(*tuple(_d.values())))

</pallas_src>

<mosaic_0001>
#map = affine_map<(d0, d1) -> (0, 0)>
#map1 = affine_map<(d0, d1) -> (0)>
module attributes {stable_mosaic.version = 14 : i64} {
  func.func @_sc_argmin(%arg0: i32, %arg1: i32, %arg2: memref<512x4096xf32, #tpu.memory_space<hbm>>, %arg3: memref<512xi32, #tpu.memory_space<hbm>>, %arg4: memref<2x8x4096xf32, #tpu.memory_space<vmem>>, %arg5: memref<16xi32, #tpu.memory_space<vmem>>, %arg6: memref<!tpu.dma_semaphore, #tpu.memory_space<semaphore_mem>>, %arg7: memref<!tpu.dma_semaphore, #tpu.memory_space<semaphore_mem>>) attributes {dimension_semantics = [#tpu.dimension_semantics<core_parallel>, #tpu.dimension_semantics<subcore_parallel>], iteration_bounds = array<i64: 2, 16>, scalar_prefetch = 0 : i64, scratch_operands = 4 : i64, tpu.core_type = #tpu.core_type<sc_vector_subcore>, window_params = [{transform_indices = #map}, {transform_indices = #map1}]} {
    %mul3A = arith.constant 2 : i32
    %mul3A_0 = arith.muli %arg1, %mul3A : i32
    %add3A = arith.addi %mul3A_0, %arg0 : i32
    %mul3A_1 = arith.constant 16 : i32
    %mul3A_2 = arith.muli %add3A, %mul3A_1 : i32
    %add3A_3 = arith.constant 0 : i32
    %add3A_4 = arith.addi %mul3A_2, %add3A_3 : i32
    %dma_start3A = arith.constant 0 : i32
    %dma_start3A_5 = arith.constant 0 : i32
    %dma_start3A_6 = arith.constant 0 : i32
    %dma_start3A_7 = tpu.memref_slice %arg4[%dma_start3A, %dma_start3A_5, %dma_start3A_6] : memref<2x8x4096xf32, #tpu.memory_space<vmem>> -> memref<1x8x4096xf32, #tpu.memory_space<vmem>>
    %dma_start3A_8 = tpu.memref_squeeze %dma_start3A_7 : memref<1x8x4096xf32, #tpu.memory_space<vmem>> -> memref<8x4096xf32, #tpu.memory_space<vmem>>
    %dma_start3A_9 = arith.constant 0 : i32
    %dma_start3A_10 = tpu.memref_slice %arg2[%add3A_4, %dma_start3A_9] : memref<512x4096xf32, #tpu.memory_space<hbm>> -> memref<8x4096xf32, #tpu.memory_space<hbm>>
    %dma_start3A_11 = arith.constant 0 : i32
    %dma_start3A_12 = arith.constant 0 : i32
    %dma_start3A_13 = tpu.memref_slice %arg4[%dma_start3A, %dma_start3A_11, %dma_start3A_12] : memref<2x8x4096xf32, #tpu.memory_space<vmem>> -> memref<1x8x4096xf32, #tpu.memory_space<vmem>>
    %dma_start3A_14 = tpu.memref_squeeze %dma_start3A_13 : memref<1x8x4096xf32, #tpu.memory_space<vmem>> -> memref<8x4096xf32, #tpu.memory_space<vmem>>
    %dma_start3A_15 = arith.constant 0 : i32
    %dma_start3A_16 = tpu.memref_slice %arg2[%add3A_4, %dma_start3A_15] : memref<512x4096xf32, #tpu.memory_space<hbm>> -> memref<8x4096xf32, #tpu.memory_space<hbm>>
    tpu.enqueue_dma source(%dma_start3A_16 : memref<8x4096xf32, #tpu.memory_space<hbm>>) target(%dma_start3A_14 : memref<8x4096xf32, #tpu.memory_space<vmem>>) target_semaphore(%arg6 : memref<!tpu.dma_semaphore, #tpu.memory_space<semaphore_mem>>)
    %add3A_17 = arith.constant 8 : i32
    %add3A_18 = arith.addi %mul3A_2, %add3A_17 : i32
    %dma_start3A_19 = arith.constant 1 : i32
    %dma_start3A_20 = arith.constant 0 : i32
    %dma_start3A_21 = arith.constant 0 : i32
    %dma_start3A_22 = tpu.memref_slice %arg4[%dma_start3A_19, %dma_start3A_20, %dma_start3A_21] : memref<2x8x4096xf32, #tpu.memory_space<vmem>> -> memref<1x8x4096xf32, #tpu.memory_space<vmem>>
    %dma_start3A_23 = tpu.memref_squeeze %dma_start3A_22 : memref<1x8x4096xf32, #tpu.memory_space<vmem>> -> memref<8x4096xf32, #tpu.memory_space<vmem>>
    %dma_start3A_24 = arith.constant 0 : i32
    %dma_start3A_25 = tpu.memref_slice %arg2[%add3A_18, %dma_start3A_24] : memref<512x4096xf32, #tpu.memory_space<hbm>> -> memref<8x4096xf32, #tpu.memory_space<hbm>>
    %dma_start3A_26 = arith.constant 0 : i32
    %dma_start3A_27 = arith.constant 0 : i32
    %dma_start3A_28 = tpu.memref_slice %arg4[%dma_start3A_19, %dma_start3A_26, %dma_start3A_27] : memref<2x8x4096xf32, #tpu.memory_space<vmem>> -> memref<1x8x4096xf32, #tpu.memory_space<vmem>>
    %dma_start3A_29 = tpu.memref_squeeze %dma_start3A_28 : memref<1x8x4096xf32, #tpu.memory_space<vmem>> -> memref<8x4096xf32, #tpu.memory_space<vmem>>
    %dma_start3A_30 = arith.constant 0 : i32
    %dma_start3A_31 = tpu.memref_slice %arg2[%add3A_18, %dma_start3A_30] : memref<512x4096xf32, #tpu.memory_space<hbm>> -> memref<8x4096xf32, #tpu.memory_space<hbm>>
    tpu.enqueue_dma source(%dma_start3A_31 : memref<8x4096xf32, #tpu.memory_space<hbm>>) target(%dma_start3A_29 : memref<8x4096xf32, #tpu.memory_space<vmem>>) target_semaphore(%arg7 : memref<!tpu.dma_semaphore, #tpu.memory_space<semaphore_mem>>)
    %iota3A = tpu.iota {dimensions = array<i32: 0>} : vector<16xi32>
    %broadcast_in_dim3A = arith.constant 1073741824 : i32
    %broadcast_in_dim3A_32 = vector.broadcast %broadcast_in_dim3A : i32 to vector<16xi32>
    %dma_wait3A = arith.constant 0 : i32
    %dma_wait3A_33 = arith.constant 0 : i32
    %dma_wait3A_34 = arith.constant 0 : i32
    %dma_wait3A_35 = tpu.memref_slice %arg4[%dma_wait3A, %dma_wait3A_33, %dma_wait3A_34] : memref<2x8x4096xf32, #tpu.memory_space<vmem>> -> memref<1x8x4096xf32, #tpu.memory_space<vmem>>
    %dma_wait3A_36 = tpu.memref_squeeze %dma_wait3A_35 : memref<1x8x4096xf32, #tpu.memory_space<vmem>> -> memref<8x4096xf32, #tpu.memory_space<vmem>>
    %dma_wait3A_37 = arith.constant 0 : i32
    %dma_wait3A_38 = tpu.memref_slice %arg2[%add3A_4, %dma_wait3A_37] : memref<512x4096xf32, #tpu.memory_space<hbm>> -> memref<8x4096xf32, #tpu.memory_space<hbm>>
    %dma_wait3A_39 = arith.constant 0 : i32
    %dma_wait3A_40 = arith.constant 0 : i32
    %dma_wait3A_41 = tpu.memref_slice %arg4[%dma_wait3A, %dma_wait3A_39, %dma_wait3A_40] : memref<2x8x4096xf32, #tpu.memory_space<vmem>> -> memref<1x8x4096xf32, #tpu.memory_space<vmem>>
    %dma_wait3A_42 = tpu.memref_squeeze %dma_wait3A_41 : memref<1x8x4096xf32, #tpu.memory_space<vmem>> -> memref<8x4096xf32, #tpu.memory_space<vmem>>
    %dma_wait3A_43 = arith.constant 0 : i32
    %dma_wait3A_44 = tpu.memref_slice %arg2[%add3A_4, %dma_wait3A_43] : memref<512x4096xf32, #tpu.memory_space<hbm>> -> memref<8x4096xf32, #tpu.memory_space<hbm>>
    tpu.wait_dma2 semaphore(%arg6 : memref<!tpu.dma_semaphore, #tpu.memory_space<semaphore_mem>>) src(%dma_wait3A_44 : memref<8x4096xf32, #tpu.memory_space<hbm>>) dst(%dma_wait3A_42 : memref<8x4096xf32, #tpu.memory_space<vmem>>)
    %scan3A = arith.constant 0 : i32
    %scan3A_45 = arith.constant 8 : i32
    %scan3A_46 = arith.addi %scan3A, %scan3A_45 : i32
    %scan3A_47 = arith.constant 1 : i32
    %scan3A_48 = scf.for %scan3A_72 = %scan3A to %scan3A_46 step %scan3A_47 iter_args(%scan3A_73 = %broadcast_in_dim3A_32) -> (vector<16xi32>)  : i32 {
      %add3A_74 = arith.constant 0 : i32
      %add3A_75 = arith.addi %scan3A_72, %add3A_74 : i32
      %eq3A = vector.broadcast %add3A_75 : i32 to vector<16xi32>
      %eq3A_76 = arith.cmpi eq, %iota3A, %eq3A : vector<16xi32>
      %broadcast_in_dim3A_77 = arith.constant 0x7F800000 : f32
      %broadcast_in_dim3A_78 = vector.broadcast %broadcast_in_dim3A_77 : f32 to vector<16xf32>
      %broadcast_in_dim3A_79 = arith.constant 1073741824 : i32
      %broadcast_in_dim3A_80 = vector.broadcast %broadcast_in_dim3A_79 : i32 to vector<16xi32>
      %scan3A_81 = arith.constant 0 : i32
      %scan3A_82 = arith.constant 16 : i32
      %scan3A_83 = arith.addi %scan3A_81, %scan3A_82 : i32
      %scan3A_84 = arith.constant 1 : i32
      %scan3A_85:2 = scf.for %scan3A_150 = %scan3A_81 to %scan3A_83 step %scan3A_84 iter_args(%scan3A_151 = %broadcast_in_dim3A_78, %scan3A_152 = %broadcast_in_dim3A_80) -> (vector<16xf32>, vector<16xi32>)  : i32 {
        %mul3A_153 = arith.constant 16 : i32
        %mul3A_154 = arith.muli %scan3A_150, %mul3A_153 : i32
        %add3A_155 = arith.constant 0 : i32
        %add3A_156 = arith.addi %mul3A_154, %add3A_155 : i32
        %mul3A_157 = arith.constant 16 : i32
        %mul3A_158 = arith.muli %add3A_156, %mul3A_157 : i32
        %get3A = arith.constant 0 : i32
        %get3A_159 = arith.index_cast %get3A : i32 to index
        %get3A_160 = arith.index_cast %scan3A_72 : i32 to index
        %get3A_161 = arith.index_cast %mul3A_158 : i32 to index
        %get3A_162 = tpu.vector_load %arg4[%get3A_159, %get3A_160, %get3A_161] {strides = array<i32>} : memref<2x8x4096xf32, #tpu.memory_space<vmem>>, vector<1x1x16xf32>,
        %get3A_163 = vector.shape_cast %get3A_162 : vector<1x1x16xf32> to vector<16xf32>
        %broadcast_in_dim3A_164 = vector.broadcast %add3A_156 : i32 to vector<16xi32>
        %lt3A_165 = arith.cmpf olt, %get3A_163, %scan3A_151 : vector<16xf32>
        %min3A = arith.minimumf %get3A_163, %scan3A_151 : vector<16xf32>
        %select_n3A_166 = arith.select %lt3A_165, %broadcast_in_dim3A_164, %scan3A_152 : vector<16xi1>, vector<16xi32>
        %mul3A_167 = arith.constant 16 : i32
        %mul3A_168 = arith.muli %scan3A_150, %mul3A_167 : i32
        %add3A_169 = arith.constant 1 : i32
        %add3A_170 = arith.addi %mul3A_168, %add3A_169 : i32
        %mul3A_171 = arith.constant 16 : i32
        %mul3A_172 = arith.muli %add3A_170, %mul3A_171 : i32
        %get3A_173 = arith.constant 0 : i32
        %get3A_174 = arith.index_cast %get3A_173 : i32 to index
        %get3A_175 = arith.index_cast %scan3A_72 : i32 to index
        %get3A_176 = arith.index_cast %mul3A_172 : i32 to index
        %get3A_177 = tpu.vector_load %arg4[%get3A_174, %get3A_175, %get3A_176] {strides = array<i32>} : memref<2x8x4096xf32, #tpu.memory_space<vmem>>, vector<1x1x16xf32>,
        %get3A_178 = vector.shape_cast %get3A_177 : vector<1x1x16xf32> to vector<16xf32>
        %broadcast_in_dim3A_179 = vector.broadcast %add3A_170 : i32 to vector<16xi32>
        %lt3A_180 = arith.cmpf olt, %get3A_178, %min3A : vector<16xf32>
        %min3A_181 = arith.minimumf %get3A_178, %min3A : vector<16xf32>
        %select_n3A_182 = arith.select %lt3A_180, %broadcast_in_dim3A_179, %select_n3A_166 : vector<16xi1>, vector<16xi32>
        %mul3A_183 = arith.constant 16 : i32
        %mul3A_184 = arith.muli %scan3A_150, %mul3A_183 : i32
        %add3A_185 = arith.constant 2 : i32
        %add3A_186 = arith.addi %mul3A_184, %add3A_185 : i32
        %mul3A_187 = arith.constant 16 : i32
        %mul3A_188 = arith.muli %add3A_186, %mul3A_187 : i32
        %get3A_189 = arith.constant 0 : i32
        %get3A_190 = arith.index_cast %get3A_189 : i32 to index
        %get3A_191 = arith.index_cast %scan3A_72 : i32 to index
        %get3A_192 = arith.index_cast %mul3A_188 : i32 to index
        %get3A_193 = tpu.vector_load %arg4[%get3A_190, %get3A_191, %get3A_192] {strides = array<i32>} : memref<2x8x4096xf32, #tpu.memory_space<vmem>>, vector<1x1x16xf32>,
        %get3A_194 = vector.shape_cast %get3A_193 : vector<1x1x16xf32> to vector<16xf32>
        %broadcast_in_dim3A_195 = vector.broadcast %add3A_186 : i32 to vector<16xi32>
        %lt3A_196 = arith.cmpf olt, %get3A_194, %min3A_181 : vector<16xf32>
        %min3A_197 = arith.minimumf %get3A_194, %min3A_181 : vector<16xf32>
        %select_n3A_198 = arith.select %lt3A_196, %broadcast_in_dim3A_195, %select_n3A_182 : vector<16xi1>, vector<16xi32>
        %mul3A_199 = arith.constant 16 : i32
        %mul3A_200 = arith.muli %scan3A_150, %mul3A_199 : i32
        %add3A_201 = arith.constant 3 : i32
        %add3A_202 = arith.addi %mul3A_200, %add3A_201 : i32
        %mul3A_203 = arith.constant 16 : i32
        %mul3A_204 = arith.muli %add3A_202, %mul3A_203 : i32
        %get3A_205 = arith.constant 0 : i32
        %get3A_206 = arith.index_cast %get3A_205 : i32 to index
        %get3A_207 = arith.index_cast %scan3A_72 : i32 to index
        %get3A_208 = arith.index_cast %mul3A_204 : i32 to index
        %get3A_209 = tpu.vector_load %arg4[%get3A_206, %get3A_207, %get3A_208] {strides = array<i32>} : memref<2x8x4096xf32, #tpu.memory_space<vmem>>, vector<1x1x16xf32>,
        %get3A_210 = vector.shape_cast %get3A_209 : vector<1x1x16xf32> to vector<16xf32>
        %broadcast_in_dim3A_211 = vector.broadcast %add3A_202 : i32 to vector<16xi32>
        %lt3A_212 = arith.cmpf olt, %get3A_210, %min3A_197 : vector<16xf32>
        %min3A_213 = arith.minimumf %get3A_210, %min3A_197 : vector<16xf32>
        %select_n3A_214 = arith.select %lt3A_212, %broadcast_in_dim3A_211, %select_n3A_198 : vector<16xi1>, vector<16xi32>
        %mul3A_215 = arith.constant 16 : i32
        %mul3A_216 = arith.muli %scan3A_150, %mul3A_215 : i32
        %add3A_217 = arith.constant 4 : i32
        %add3A_218 = arith.addi %mul3A_216, %add3A_217 : i32
        %mul3A_219 = arith.constant 16 : i32
        %mul3A_220 = arith.muli %add3A_218, %mul3A_219 : i32
        %get3A_221 = arith.constant 0 : i32
        %get3A_222 = arith.index_cast %get3A_221 : i32 to index
        %get3A_223 = arith.index_cast %scan3A_72 : i32 to index
        %get3A_224 = arith.index_cast %mul3A_220 : i32 to index
        %get3A_225 = tpu.vector_load %arg4[%get3A_222, %get3A_223, %get3A_224] {strides = array<i32>} : memref<2x8x4096xf32, #tpu.memory_space<vmem>>, vector<1x1x16xf32>,
        %get3A_226 = vector.shape_cast %get3A_225 : vector<1x1x16xf32> to vector<16xf32>
        %broadcast_in_dim3A_227 = vector.broadcast %add3A_218 : i32 to vector<16xi32>
        %lt3A_228 = arith.cmpf olt, %get3A_226, %min3A_213 : vector<16xf32>
        %min3A_229 = arith.minimumf %get3A_226, %min3A_213 : vector<16xf32>
        %select_n3A_230 = arith.select %lt3A_228, %broadcast_in_dim3A_227, %select_n3A_214 : vector<16xi1>, vector<16xi32>
        %mul3A_231 = arith.constant 16 : i32
        %mul3A_232 = arith.muli %scan3A_150, %mul3A_231 : i32
        %add3A_233 = arith.constant 5 : i32
        %add3A_234 = arith.addi %mul3A_232, %add3A_233 : i32
        %mul3A_235 = arith.constant 16 : i32
        %mul3A_236 = arith.muli %add3A_234, %mul3A_235 : i32
        %get3A_237 = arith.constant 0 : i32
        %get3A_238 = arith.index_cast %get3A_237 : i32 to index
        %get3A_239 = arith.index_cast %scan3A_72 : i32 to index
        %get3A_240 = arith.index_cast %mul3A_236 : i32 to index
        %get3A_241 = tpu.vector_load %arg4[%get3A_238, %get3A_239, %get3A_240] {strides = array<i32>} : memref<2x8x4096xf32, #tpu.memory_space<vmem>>, vector<1x1x16xf32>,
        %get3A_242 = vector.shape_cast %get3A_241 : vector<1x1x16xf32> to vector<16xf32>
        %broadcast_in_dim3A_243 = vector.broadcast %add3A_234 : i32 to vector<16xi32>
        %lt3A_244 = arith.cmpf olt, %get3A_242, %min3A_229 : vector<16xf32>
        %min3A_245 = arith.minimumf %get3A_242, %min3A_229 : vector<16xf32>
        %select_n3A_246 = arith.select %lt3A_244, %broadcast_in_dim3A_243, %select_n3A_230 : vector<16xi1>, vector<16xi32>
        %mul3A_247 = arith.constant 16 : i32
        %mul3A_248 = arith.muli %scan3A_150, %mul3A_247 : i32
        %add3A_249 = arith.constant 6 : i32
        %add3A_250 = arith.addi %mul3A_248, %add3A_249 : i32
        %mul3A_251 = arith.constant 16 : i32
        %mul3A_252 = arith.muli %add3A_250, %mul3A_251 : i32
        %get3A_253 = arith.constant 0 : i32
        %get3A_254 = arith.index_cast %get3A_253 : i32 to index
        %get3A_255 = arith.index_cast %scan3A_72 : i32 to index
        %get3A_256 = arith.index_cast %mul3A_252 : i32 to index
        %get3A_257 = tpu.vector_load %arg4[%get3A_254, %get3A_255, %get3A_256] {strides = array<i32>} : memref<2x8x4096xf32, #tpu.memory_space<vmem>>, vector<1x1x16xf32>,
        %get3A_258 = vector.shape_cast %get3A_257 : vector<1x1x16xf32> to vector<16xf32>
        %broadcast_in_dim3A_259 = vector.broadcast %add3A_250 : i32 to vector<16xi32>
        %lt3A_260 = arith.cmpf olt, %get3A_258, %min3A_245 : vector<16xf32>
        %min3A_261 = arith.minimumf %get3A_258, %min3A_245 : vector<16xf32>
        %select_n3A_262 = arith.select %lt3A_260, %broadcast_in_dim3A_259, %select_n3A_246 : vector<16xi1>, vector<16xi32>
        %mul3A_263 = arith.constant 16 : i32
        %mul3A_264 = arith.muli %scan3A_150, %mul3A_263 : i32
        %add3A_265 = arith.constant 7 : i32
        %add3A_266 = arith.addi %mul3A_264, %add3A_265 : i32
        %mul3A_267 = arith.constant 16 : i32
        %mul3A_268 = arith.muli %add3A_266, %mul3A_267 : i32
        %get3A_269 = arith.constant 0 : i32
        %get3A_270 = arith.index_cast %get3A_269 : i32 to index
        %get3A_271 = arith.index_cast %scan3A_72 : i32 to index
        %get3A_272 = arith.index_cast %mul3A_268 : i32 to index
        %get3A_273 = tpu.vector_load %arg4[%get3A_270, %get3A_271, %get3A_272] {strides = array<i32>} : memref<2x8x4096xf32, #tpu.memory_space<vmem>>, vector<1x1x16xf32>,
        %get3A_274 = vector.shape_cast %get3A_273 : vector<1x1x16xf32> to vector<16xf32>
        %broadcast_in_dim3A_275 = vector.broadcast %add3A_266 : i32 to vector<16xi32>
        %lt3A_276 = arith.cmpf olt, %get3A_274, %min3A_261 : vector<16xf32>
        %min3A_277 = arith.minimumf %get3A_274, %min3A_261 : vector<16xf32>
        %select_n3A_278 = arith.select %lt3A_276, %broadcast_in_dim3A_275, %select_n3A_262 : vector<16xi1>, vector<16xi32>
        %mul3A_279 = arith.constant 16 : i32
        %mul3A_280 = arith.muli %scan3A_150, %mul3A_279 : i32
        %add3A_281 = arith.constant 8 : i32
        %add3A_282 = arith.addi %mul3A_280, %add3A_281 : i32
        %mul3A_283 = arith.constant 16 : i32
        %mul3A_284 = arith.muli %add3A_282, %mul3A_283 : i32
        %get3A_285 = arith.constant 0 : i32
        %get3A_286 = arith.index_cast %get3A_285 : i32 to index
        %get3A_287 = arith.index_cast %scan3A_72 : i32 to index
        %get3A_288 = arith.index_cast %mul3A_284 : i32 to index
        %get3A_289 = tpu.vector_load %arg4[%get3A_286, %get3A_287, %get3A_288] {strides = array<i32>} : memref<2x8x4096xf32, #tpu.memory_space<vmem>>, vector<1x1x16xf32>,
        %get3A_290 = vector.shape_cast %get3A_289 : vector<1x1x16xf32> to vector<16xf32>
        %broadcast_in_dim3A_291 = vector.broadcast %add3A_282 : i32 to vector<16xi32>
        %lt3A_292 = arith.cmpf olt, %get3A_290, %min3A_277 : vector<16xf32>
        %min3A_293 = arith.minimumf %get3A_290, %min3A_277 : vector<16xf32>
        %select_n3A_294 = arith.select %lt3A_292, %broadcast_in_dim3A_291, %select_n3A_278 : vector<16xi1>, vector<16xi32>
        %mul3A_295 = arith.constant 16 : i32
        %mul3A_296 = arith.muli %scan3A_150, %mul3A_295 : i32
        %add3A_297 = arith.constant 9 : i32
        %add3A_298 = arith.addi %mul3A_296, %add3A_297 : i32
        %mul3A_299 = arith.constant 16 : i32
        %mul3A_300 = arith.muli %add3A_298, %mul3A_299 : i32
        %get3A_301 = arith.constant 0 : i32
        %get3A_302 = arith.index_cast %get3A_301 : i32 to index
        %get3A_303 = arith.index_cast %scan3A_72 : i32 to index
        %get3A_304 = arith.index_cast %mul3A_300 : i32 to index
        %get3A_305 = tpu.vector_load %arg4[%get3A_302, %get3A_303, %get3A_304] {strides = array<i32>} : memref<2x8x4096xf32, #tpu.memory_space<vmem>>, vector<1x1x16xf32>,
        %get3A_306 = vector.shape_cast %get3A_305 : vector<1x1x16xf32> to vector<16xf32>
        %broadcast_in_dim3A_307 = vector.broadcast %add3A_298 : i32 to vector<16xi32>
        %lt3A_308 = arith.cmpf olt, %get3A_306, %min3A_293 : vector<16xf32>
        %min3A_309 = arith.minimumf %get3A_306, %min3A_293 : vector<16xf32>
        %select_n3A_310 = arith.select %lt3A_308, %broadcast_in_dim3A_307, %select_n3A_294 : vector<16xi1>, vector<16xi32>
        %mul3A_311 = arith.constant 16 : i32
        %mul3A_312 = arith.muli %scan3A_150, %mul3A_311 : i32
        %add3A_313 = arith.constant 10 : i32
        %add3A_314 = arith.addi %mul3A_312, %add3A_313 : i32
        %mul3A_315 = arith.constant 16 : i32
        %mul3A_316 = arith.muli %add3A_314, %mul3A_315 : i32
        %get3A_317 = arith.constant 0 : i32
        %get3A_318 = arith.index_cast %get3A_317 : i32 to index
        %get3A_319 = arith.index_cast %scan3A_72 : i32 to index
        %get3A_320 = arith.index_cast %mul3A_316 : i32 to index
        %get3A_321 = tpu.vector_load %arg4[%get3A_318, %get3A_319, %get3A_320] {strides = array<i32>} : memref<2x8x4096xf32, #tpu.memory_space<vmem>>, vector<1x1x16xf32>,
        %get3A_322 = vector.shape_cast %get3A_321 : vector<1x1x16xf32> to vector<16xf32>
        %broadcast_in_dim3A_323 = vector.broadcast %add3A_314 : i32 to vector<16xi32>
        %lt3A_324 = arith.cmpf olt, %get3A_322, %min3A_309 : vector<16xf32>
        %min3A_325 = arith.minimumf %get3A_322, %min3A_309 : vector<16xf32>
        %select_n3A_326 = arith.select %lt3A_324, %broadcast_in_dim3A_323, %select_n3A_310 : vector<16xi1>, vector<16xi32>
        %mul3A_327 = arith.constant 16 : i32
        %mul3A_328 = arith.muli %scan3A_150, %mul3A_327 : i32
        %add3A_329 = arith.constant 11 : i32
        %add3A_330 = arith.addi %mul3A_328, %add3A_329 : i32
        %mul3A_331 = arith.constant 16 : i32
        %mul3A_332 = arith.muli %add3A_330, %mul3A_331 : i32
        %get3A_333 = arith.constant 0 : i32
        %get3A_334 = arith.index_cast %get3A_333 : i32 to index
        %get3A_335 = arith.index_cast %scan3A_72 : i32 to index
        %get3A_336 = arith.index_cast %mul3A_332 : i32 to index
        %get3A_337 = tpu.vector_load %arg4[%get3A_334, %get3A_335, %get3A_336] {strides = array<i32>} : memref<2x8x4096xf32, #tpu.memory_space<vmem>>, vector<1x1x16xf32>,
        %get3A_338 = vector.shape_cast %get3A_337 : vector<1x1x16xf32> to vector<16xf32>
        %broadcast_in_dim3A_339 = vector.broadcast %add3A_330 : i32 to vector<16xi32>
        %lt3A_340 = arith.cmpf olt, %get3A_338, %min3A_325 : vector<16xf32>
        %min3A_341 = arith.minimumf %get3A_338, %min3A_325 : vector<16xf32>
        %select_n3A_342 = arith.select %lt3A_340, %broadcast_in_dim3A_339, %select_n3A_326 : vector<16xi1>, vector<16xi32>
        %mul3A_343 = arith.constant 16 : i32
        %mul3A_344 = arith.muli %scan3A_150, %mul3A_343 : i32
        %add3A_345 = arith.constant 12 : i32
        %add3A_346 = arith.addi %mul3A_344, %add3A_345 : i32
        %mul3A_347 = arith.constant 16 : i32
        %mul3A_348 = arith.muli %add3A_346, %mul3A_347 : i32
        %get3A_349 = arith.constant 0 : i32
        %get3A_350 = arith.index_cast %get3A_349 : i32 to index
        %get3A_351 = arith.index_cast %scan3A_72 : i32 to index
        %get3A_352 = arith.index_cast %mul3A_348 : i32 to index
        %get3A_353 = tpu.vector_load %arg4[%get3A_350, %get3A_351, %get3A_352] {strides = array<i32>} : memref<2x8x4096xf32, #tpu.memory_space<vmem>>, vector<1x1x16xf32>,
        %get3A_354 = vector.shape_cast %get3A_353 : vector<1x1x16xf32> to vector<16xf32>
        %broadcast_in_dim3A_355 = vector.broadcast %add3A_346 : i32 to vector<16xi32>
        %lt3A_356 = arith.cmpf olt, %get3A_354, %min3A_341 : vector<16xf32>
        %min3A_357 = arith.minimumf %get3A_354, %min3A_341 : vector<16xf32>
        %select_n3A_358 = arith.select %lt3A_356, %broadcast_in_dim3A_355, %select_n3A_342 : vector<16xi1>, vector<16xi32>
        %mul3A_359 = arith.constant 16 : i32
        %mul3A_360 = arith.muli %scan3A_150, %mul3A_359 : i32
        %add3A_361 = arith.constant 13 : i32
        %add3A_362 = arith.addi %mul3A_360, %add3A_361 : i32
        %mul3A_363 = arith.constant 16 : i32
        %mul3A_364 = arith.muli %add3A_362, %mul3A_363 : i32
        %get3A_365 = arith.constant 0 : i32
        %get3A_366 = arith.index_cast %get3A_365 : i32 to index
        %get3A_367 = arith.index_cast %scan3A_72 : i32 to index
        %get3A_368 = arith.index_cast %mul3A_364 : i32 to index
        %get3A_369 = tpu.vector_load %arg4[%get3A_366, %get3A_367, %get3A_368] {strides = array<i32>} : memref<2x8x4096xf32, #tpu.memory_space<vmem>>, vector<1x1x16xf32>,
        %get3A_370 = vector.shape_cast %get3A_369 : vector<1x1x16xf32> to vector<16xf32>
        %broadcast_in_dim3A_371 = vector.broadcast %add3A_362 : i32 to vector<16xi32>
        %lt3A_372 = arith.cmpf olt, %get3A_370, %min3A_357 : vector<16xf32>
        %min3A_373 = arith.minimumf %get3A_370, %min3A_357 : vector<16xf32>
        %select_n3A_374 = arith.select %lt3A_372, %broadcast_in_dim3A_371, %select_n3A_358 : vector<16xi1>, vector<16xi32>
        %mul3A_375 = arith.constant 16 : i32
        %mul3A_376 = arith.muli %scan3A_150, %mul3A_375 : i32
        %add3A_377 = arith.constant 14 : i32
        %add3A_378 = arith.addi %mul3A_376, %add3A_377 : i32
        %mul3A_379 = arith.constant 16 : i32
        %mul3A_380 = arith.muli %add3A_378, %mul3A_379 : i32
        %get3A_381 = arith.constant 0 : i32
        %get3A_382 = arith.index_cast %get3A_381 : i32 to index
        %get3A_383 = arith.index_cast %scan3A_72 : i32 to index
        %get3A_384 = arith.index_cast %mul3A_380 : i32 to index
        %get3A_385 = tpu.vector_load %arg4[%get3A_382, %get3A_383, %get3A_384] {strides = array<i32>} : memref<2x8x4096xf32, #tpu.memory_space<vmem>>, vector<1x1x16xf32>,
        %get3A_386 = vector.shape_cast %get3A_385 : vector<1x1x16xf32> to vector<16xf32>
        %broadcast_in_dim3A_387 = vector.broadcast %add3A_378 : i32 to vector<16xi32>
        %lt3A_388 = arith.cmpf olt, %get3A_386, %min3A_373 : vector<16xf32>
        %min3A_389 = arith.minimumf %get3A_386, %min3A_373 : vector<16xf32>
        %select_n3A_390 = arith.select %lt3A_388, %broadcast_in_dim3A_387, %select_n3A_374 : vector<16xi1>, vector<16xi32>
        %mul3A_391 = arith.constant 16 : i32
        %mul3A_392 = arith.muli %scan3A_150, %mul3A_391 : i32
        %add3A_393 = arith.constant 15 : i32
        %add3A_394 = arith.addi %mul3A_392, %add3A_393 : i32
        %mul3A_395 = arith.constant 16 : i32
        %mul3A_396 = arith.muli %add3A_394, %mul3A_395 : i32
        %get3A_397 = arith.constant 0 : i32
        %get3A_398 = arith.index_cast %get3A_397 : i32 to index
        %get3A_399 = arith.index_cast %scan3A_72 : i32 to index
        %get3A_400 = arith.index_cast %mul3A_396 : i32 to index
        %get3A_401 = tpu.vector_load %arg4[%get3A_398, %get3A_399, %get3A_400] {strides = array<i32>} : memref<2x8x4096xf32, #tpu.memory_space<vmem>>, vector<1x1x16xf32>,
        %get3A_402 = vector.shape_cast %get3A_401 : vector<1x1x16xf32> to vector<16xf32>
        %broadcast_in_dim3A_403 = vector.broadcast %add3A_394 : i32 to vector<16xi32>
        %lt3A_404 = arith.cmpf olt, %get3A_402, %min3A_389 : vector<16xf32>
        %min3A_405 = arith.minimumf %get3A_402, %min3A_389 : vector<16xf32>
        %select_n3A_406 = arith.select %lt3A_404, %broadcast_in_dim3A_403, %select_n3A_390 : vector<16xi1>, vector<16xi32>
        scf.yield %min3A_405, %select_n3A_406 : vector<16xf32>, vector<16xi32>
      }
      %scan3A_86 = arith.constant 16 : i32
      %mul3A_87 = arith.constant 16 : i32
      %mul3A_88 = vector.broadcast %mul3A_87 : i32 to vector<16xi32>
      %mul3A_89 = arith.muli %scan3A_85#1, %mul3A_88 : vector<16xi32>
      %add3A_90 = arith.addi %mul3A_89, %iota3A : vector<16xi32>
      %xor3A = arith.constant 8 : i32
      %xor3A_91 = vector.broadcast %xor3A : i32 to vector<16xi32>
      %xor3A_92 = arith.xori %iota3A, %xor3A_91 : vector<16xi32>
      %broadcast_in_dim3A_93 = vector.shape_cast %xor3A_92 : vector<16xi32> to vector<16x1xi32>
      %gather3A = vector.shape_cast %broadcast_in_dim3A_93 : vector<16x1xi32> to vector<16xi32>
      %gather3A_94 = tpu.dynamic_gather %scan3A_85#0[%gather3A] in [0] : vector<16xf32>, vector<16xi32> -> vector<16xf32>
      %broadcast_in_dim3A_95 = vector.shape_cast %xor3A_92 : vector<16xi32> to vector<16x1xi32>
      %gather3A_96 = vector.shape_cast %broadcast_in_dim3A_95 : vector<16x1xi32> to vector<16xi32>
      %gather3A_97 = tpu.dynamic_gather %add3A_90[%gather3A_96] in [0] : vector<16xi32>, vector<16xi32> -> vector<16xi32>
      %lt3A = arith.cmpf olt, %gather3A_94, %scan3A_85#0 : vector<16xf32>
      %eq3A_98 = arith.cmpf oeq, %gather3A_94, %scan3A_85#0 : vector<16xf32>
      %lt3A_99 = arith.cmpi slt, %gather3A_97, %add3A_90 : vector<16xi32>
      %and3A = arith.andi %eq3A_98, %lt3A_99 : vector<16xi1>
      %or3A = arith.ori %lt3A, %and3A : vector<16xi1>
      %select_n3A = arith.select %or3A, %gather3A_94, %scan3A_85#0 : vector<16xi1>, vector<16xf32>
      %select_n3A_100 = arith.select %or3A, %gather3A_97, %add3A_90 : vector<16xi1>, vector<16xi32>
      %xor3A_101 = arith.constant 4 : i32
      %xor3A_102 = vector.broadcast %xor3A_101 : i32 to vector<16xi32>
      %xor3A_103 = arith.xori %iota3A, %xor3A_102 : vector<16xi32>
      %broadcast_in_dim3A_104 = vector.shape_cast %xor3A_103 : vector<16xi32> to vector<16x1xi32>
      %gather3A_105 = vector.shape_cast %broadcast_in_dim3A_104 : vector<16x1xi32> to vector<16xi32>
      %gather3A_106 = tpu.dynamic_gather %select_n3A[%gather3A_105] in [0] : vector<16xf32>, vector<16xi32> -> vector<16xf32>
      %broadcast_in_dim3A_107 = vector.shape_cast %xor3A_103 : vector<16xi32> to vector<16x1xi32>
      %gather3A_108 = vector.shape_cast %broadcast_in_dim3A_107 : vector<16x1xi32> to vector<16xi32>
      %gather3A_109 = tpu.dynamic_gather %select_n3A_100[%gather3A_108] in [0] : vector<16xi32>, vector<16xi32> -> vector<16xi32>
      %lt3A_110 = arith.cmpf olt, %gather3A_106, %select_n3A : vector<16xf32>
      %eq3A_111 = arith.cmpf oeq, %gather3A_106, %select_n3A : vector<16xf32>
      %lt3A_112 = arith.cmpi slt, %gather3A_109, %select_n3A_100 : vector<16xi32>
      %and3A_113 = arith.andi %eq3A_111, %lt3A_112 : vector<16xi1>
      %or3A_114 = arith.ori %lt3A_110, %and3A_113 : vector<16xi1>
      %select_n3A_115 = arith.select %or3A_114, %gather3A_106, %select_n3A : vector<16xi1>, vector<16xf32>
      %select_n3A_116 = arith.select %or3A_114, %gather3A_109, %select_n3A_100 : vector<16xi1>, vector<16xi32>
      %xor3A_117 = arith.constant 2 : i32
      %xor3A_118 = vector.broadcast %xor3A_117 : i32 to vector<16xi32>
      %xor3A_119 = arith.xori %iota3A, %xor3A_118 : vector<16xi32>
      %broadcast_in_dim3A_120 = vector.shape_cast %xor3A_119 : vector<16xi32> to vector<16x1xi32>
      %gather3A_121 = vector.shape_cast %broadcast_in_dim3A_120 : vector<16x1xi32> to vector<16xi32>
      %gather3A_122 = tpu.dynamic_gather %select_n3A_115[%gather3A_121] in [0] : vector<16xf32>, vector<16xi32> -> vector<16xf32>
      %broadcast_in_dim3A_123 = vector.shape_cast %xor3A_119 : vector<16xi32> to vector<16x1xi32>
      %gather3A_124 = vector.shape_cast %broadcast_in_dim3A_123 : vector<16x1xi32> to vector<16xi32>
      %gather3A_125 = tpu.dynamic_gather %select_n3A_116[%gather3A_124] in [0] : vector<16xi32>, vector<16xi32> -> vector<16xi32>
      %lt3A_126 = arith.cmpf olt, %gather3A_122, %select_n3A_115 : vector<16xf32>
      %eq3A_127 = arith.cmpf oeq, %gather3A_122, %select_n3A_115 : vector<16xf32>
      %lt3A_128 = arith.cmpi slt, %gather3A_125, %select_n3A_116 : vector<16xi32>
      %and3A_129 = arith.andi %eq3A_127, %lt3A_128 : vector<16xi1>
      %or3A_130 = arith.ori %lt3A_126, %and3A_129 : vector<16xi1>
      %select_n3A_131 = arith.select %or3A_130, %gather3A_122, %select_n3A_115 : vector<16xi1>, vector<16xf32>
      %select_n3A_132 = arith.select %or3A_130, %gather3A_125, %select_n3A_116 : vector<16xi1>, vector<16xi32>
      %xor3A_133 = arith.constant 1 : i32
      %xor3A_134 = vector.broadcast %xor3A_133 : i32 to vector<16xi32>
      %xor3A_135 = arith.xori %iota3A, %xor3A_134 : vector<16xi32>
      %broadcast_in_dim3A_136 = vector.shape_cast %xor3A_135 : vector<16xi32> to vector<16x1xi32>
      %gather3A_137 = vector.shape_cast %broadcast_in_dim3A_136 : vector<16x1xi32> to vector<16xi32>
      %gather3A_138 = tpu.dynamic_gather %select_n3A_131[%gather3A_137] in [0] : vector<16xf32>, vector<16xi32> -> vector<16xf32>
      %broadcast_in_dim3A_139 = vector.shape_cast %xor3A_135 : vector<16xi32> to vector<16x1xi32>
      %gather3A_140 = vector.shape_cast %broadcast_in_dim3A_139 : vector<16x1xi32> to vector<16xi32>
      %gather3A_141 = tpu.dynamic_gather %select_n3A_132[%gather3A_140] in [0] : vector<16xi32>, vector<16xi32> -> vector<16xi32>
      %lt3A_142 = arith.cmpf olt, %gather3A_138, %select_n3A_131 : vector<16xf32>
      %eq3A_143 = arith.cmpf oeq, %gather3A_138, %select_n3A_131 : vector<16xf32>
      %lt3A_144 = arith.cmpi slt, %gather3A_141, %select_n3A_132 : vector<16xi32>
      %and3A_145 = arith.andi %eq3A_143, %lt3A_144 : vector<16xi1>
      %or3A_146 = arith.ori %lt3A_142, %and3A_145 : vector<16xi1>
      %select_n3A_147 = arith.select %or3A_146, %gather3A_138, %select_n3A_131 : vector<16xi1>, vector<16xf32>
      %select_n3A_148 = arith.select %or3A_146, %gather3A_141, %select_n3A_132 : vector<16xi1>, vector<16xi32>
      %select_n3A_149 = arith.select %eq3A_76, %select_n3A_148, %scan3A_73 : vector<16xi1>, vector<16xi32>
      scf.yield %select_n3A_149 : vector<16xi32>
    }
    %scan3A_49 = arith.constant 8 : i32
    %dma_wait3A_50 = arith.constant 1 : i32
    %dma_wait3A_51 = arith.constant 0 : i32
    %dma_wait3A_52 = arith.constant 0 : i32
    %dma_wait3A_53 = tpu.memref_slice %arg4[%dma_wait3A_50, %dma_wait3A_51, %dma_wait3A_52] : memref<2x8x4096xf32, #tpu.memory_space<vmem>> -> memref<1x8x4096xf32, #tpu.memory_space<vmem>>
    %dma_wait3A_54 = tpu.memref_squeeze %dma_wait3A_53 : memref<1x8x4096xf32, #tpu.memory_space<vmem>> -> memref<8x4096xf32, #tpu.memory_space<vmem>>
    %dma_wait3A_55 = arith.constant 0 : i32
    %dma_wait3A_56 = tpu.memref_slice %arg2[%add3A_18, %dma_wait3A_55] : memref<512x4096xf32, #tpu.memory_space<hbm>> -> memref<8x4096xf32, #tpu.memory_space<hbm>>
    %dma_wait3A_57 = arith.constant 0 : i32
    %dma_wait3A_58 = arith.constant 0 : i32
    %dma_wait3A_59 = tpu.memref_slice %arg4[%dma_wait3A_50, %dma_wait3A_57, %dma_wait3A_58] : memref<2x8x4096xf32, #tpu.memory_space<vmem>> -> memref<1x8x4096xf32, #tpu.memory_space<vmem>>
    %dma_wait3A_60 = tpu.memref_squeeze %dma_wait3A_59 : memref<1x8x4096xf32, #tpu.memory_space<vmem>> -> memref<8x4096xf32, #tpu.memory_space<vmem>>
    %dma_wait3A_61 = arith.constant 0 : i32
    %dma_wait3A_62 = tpu.memref_slice %arg2[%add3A_18, %dma_wait3A_61] : memref<512x4096xf32, #tpu.memory_space<hbm>> -> memref<8x4096xf32, #tpu.memory_space<hbm>>
    tpu.wait_dma2 semaphore(%arg7 : memref<!tpu.dma_semaphore, #tpu.memory_space<semaphore_mem>>) src(%dma_wait3A_62 : memref<8x4096xf32, #tpu.memory_space<hbm>>) dst(%dma_wait3A_60 : memref<8x4096xf32, #tpu.memory_space<vmem>>)
    %scan3A_63 = arith.constant 0 : i32
    %scan3A_64 = arith.constant 8 : i32
    %scan3A_65 = arith.addi %scan3A_63, %scan3A_64 : i32
    %scan3A_66 = arith.constant 1 : i32
    %scan3A_67 = scf.for %scan3A_72 = %scan3A_63 to %scan3A_65 step %scan3A_66 iter_args(%scan3A_73 = %scan3A_48) -> (vector<16xi32>)  : i32 {
      %add3A_74 = arith.constant 8 : i32
      %add3A_75 = arith.addi %scan3A_72, %add3A_74 : i32
      %eq3A = vector.broadcast %add3A_75 : i32 to vector<16xi32>
      %eq3A_76 = arith.cmpi eq, %iota3A, %eq3A : vector<16xi32>
      %broadcast_in_dim3A_77 = arith.constant 0x7F800000 : f32
      %broadcast_in_dim3A_78 = vector.broadcast %broadcast_in_dim3A_77 : f32 to vector<16xf32>
      %broadcast_in_dim3A_79 = arith.constant 1073741824 : i32
      %broadcast_in_dim3A_80 = vector.broadcast %broadcast_in_dim3A_79 : i32 to vector<16xi32>
      %scan3A_81 = arith.constant 0 : i32
      %scan3A_82 = arith.constant 16 : i32
      %scan3A_83 = arith.addi %scan3A_81, %scan3A_82 : i32
      %scan3A_84 = arith.constant 1 : i32
      %scan3A_85:2 = scf.for %scan3A_150 = %scan3A_81 to %scan3A_83 step %scan3A_84 iter_args(%scan3A_151 = %broadcast_in_dim3A_78, %scan3A_152 = %broadcast_in_dim3A_80) -> (vector<16xf32>, vector<16xi32>)  : i32 {
        %mul3A_153 = arith.constant 16 : i32
        %mul3A_154 = arith.muli %scan3A_150, %mul3A_153 : i32
        %add3A_155 = arith.constant 0 : i32
        %add3A_156 = arith.addi %mul3A_154, %add3A_155 : i32
        %mul3A_157 = arith.constant 16 : i32
        %mul3A_158 = arith.muli %add3A_156, %mul3A_157 : i32
        %get3A = arith.constant 1 : i32
        %get3A_159 = arith.index_cast %get3A : i32 to index
        %get3A_160 = arith.index_cast %scan3A_72 : i32 to index
        %get3A_161 = arith.index_cast %mul3A_158 : i32 to index
        %get3A_162 = tpu.vector_load %arg4[%get3A_159, %get3A_160, %get3A_161] {strides = array<i32>} : memref<2x8x4096xf32, #tpu.memory_space<vmem>>, vector<1x1x16xf32>,
        %get3A_163 = vector.shape_cast %get3A_162 : vector<1x1x16xf32> to vector<16xf32>
        %broadcast_in_dim3A_164 = vector.broadcast %add3A_156 : i32 to vector<16xi32>
        %lt3A_165 = arith.cmpf olt, %get3A_163, %scan3A_151 : vector<16xf32>
        %min3A = arith.minimumf %get3A_163, %scan3A_151 : vector<16xf32>
        %select_n3A_166 = arith.select %lt3A_165, %broadcast_in_dim3A_164, %scan3A_152 : vector<16xi1>, vector<16xi32>
        %mul3A_167 = arith.constant 16 : i32
        %mul3A_168 = arith.muli %scan3A_150, %mul3A_167 : i32
        %add3A_169 = arith.constant 1 : i32
        %add3A_170 = arith.addi %mul3A_168, %add3A_169 : i32
        %mul3A_171 = arith.constant 16 : i32
        %mul3A_172 = arith.muli %add3A_170, %mul3A_171 : i32
        %get3A_173 = arith.constant 1 : i32
        %get3A_174 = arith.index_cast %get3A_173 : i32 to index
        %get3A_175 = arith.index_cast %scan3A_72 : i32 to index
        %get3A_176 = arith.index_cast %mul3A_172 : i32 to index
        %get3A_177 = tpu.vector_load %arg4[%get3A_174, %get3A_175, %get3A_176] {strides = array<i32>} : memref<2x8x4096xf32, #tpu.memory_space<vmem>>, vector<1x1x16xf32>,
        %get3A_178 = vector.shape_cast %get3A_177 : vector<1x1x16xf32> to vector<16xf32>
        %broadcast_in_dim3A_179 = vector.broadcast %add3A_170 : i32 to vector<16xi32>
        %lt3A_180 = arith.cmpf olt, %get3A_178, %min3A : vector<16xf32>
        %min3A_181 = arith.minimumf %get3A_178, %min3A : vector<16xf32>
        %select_n3A_182 = arith.select %lt3A_180, %broadcast_in_dim3A_179, %select_n3A_166 : vector<16xi1>, vector<16xi32>
        %mul3A_183 = arith.constant 16 : i32
        %mul3A_184 = arith.muli %scan3A_150, %mul3A_183 : i32
        %add3A_185 = arith.constant 2 : i32
        %add3A_186 = arith.addi %mul3A_184, %add3A_185 : i32
        %mul3A_187 = arith.constant 16 : i32
        %mul3A_188 = arith.muli %add3A_186, %mul3A_187 : i32
        %get3A_189 = arith.constant 1 : i32
        %get3A_190 = arith.index_cast %get3A_189 : i32 to index
        %get3A_191 = arith.index_cast %scan3A_72 : i32 to index
        %get3A_192 = arith.index_cast %mul3A_188 : i32 to index
        %get3A_193 = tpu.vector_load %arg4[%get3A_190, %get3A_191, %get3A_192] {strides = array<i32>} : memref<2x8x4096xf32, #tpu.memory_space<vmem>>, vector<1x1x16xf32>,
        %get3A_194 = vector.shape_cast %get3A_193 : vector<1x1x16xf32> to vector<16xf32>
        %broadcast_in_dim3A_195 = vector.broadcast %add3A_186 : i32 to vector<16xi32>
        %lt3A_196 = arith.cmpf olt, %get3A_194, %min3A_181 : vector<16xf32>
        %min3A_197 = arith.minimumf %get3A_194, %min3A_181 : vector<16xf32>
        %select_n3A_198 = arith.select %lt3A_196, %broadcast_in_dim3A_195, %select_n3A_182 : vector<16xi1>, vector<16xi32>
        %mul3A_199 = arith.constant 16 : i32
        %mul3A_200 = arith.muli %scan3A_150, %mul3A_199 : i32
        %add3A_201 = arith.constant 3 : i32
        %add3A_202 = arith.addi %mul3A_200, %add3A_201 : i32
        %mul3A_203 = arith.constant 16 : i32
        %mul3A_204 = arith.muli %add3A_202, %mul3A_203 : i32
        %get3A_205 = arith.constant 1 : i32
        %get3A_206 = arith.index_cast %get3A_205 : i32 to index
        %get3A_207 = arith.index_cast %scan3A_72 : i32 to index
        %get3A_208 = arith.index_cast %mul3A_204 : i32 to index
        %get3A_209 = tpu.vector_load %arg4[%get3A_206, %get3A_207, %get3A_208] {strides = array<i32>} : memref<2x8x4096xf32, #tpu.memory_space<vmem>>, vector<1x1x16xf32>,
        %get3A_210 = vector.shape_cast %get3A_209 : vector<1x1x16xf32> to vector<16xf32>
        %broadcast_in_dim3A_211 = vector.broadcast %add3A_202 : i32 to vector<16xi32>
        %lt3A_212 = arith.cmpf olt, %get3A_210, %min3A_197 : vector<16xf32>
        %min3A_213 = arith.minimumf %get3A_210, %min3A_197 : vector<16xf32>
        %select_n3A_214 = arith.select %lt3A_212, %broadcast_in_dim3A_211, %select_n3A_198 : vector<16xi1>, vector<16xi32>
        %mul3A_215 = arith.constant 16 : i32
        %mul3A_216 = arith.muli %scan3A_150, %mul3A_215 : i32
        %add3A_217 = arith.constant 4 : i32
        %add3A_218 = arith.addi %mul3A_216, %add3A_217 : i32
        %mul3A_219 = arith.constant 16 : i32
        %mul3A_220 = arith.muli %add3A_218, %mul3A_219 : i32
        %get3A_221 = arith.constant 1 : i32
        %get3A_222 = arith.index_cast %get3A_221 : i32 to index
        %get3A_223 = arith.index_cast %scan3A_72 : i32 to index
        %get3A_224 = arith.index_cast %mul3A_220 : i32 to index
        %get3A_225 = tpu.vector_load %arg4[%get3A_222, %get3A_223, %get3A_224] {strides = array<i32>} : memref<2x8x4096xf32, #tpu.memory_space<vmem>>, vector<1x1x16xf32>,
        %get3A_226 = vector.shape_cast %get3A_225 : vector<1x1x16xf32> to vector<16xf32>
        %broadcast_in_dim3A_227 = vector.broadcast %add3A_218 : i32 to vector<16xi32>
        %lt3A_228 = arith.cmpf olt, %get3A_226, %min3A_213 : vector<16xf32>
        %min3A_229 = arith.minimumf %get3A_226, %min3A_213 : vector<16xf32>
        %select_n3A_230 = arith.select %lt3A_228, %broadcast_in_dim3A_227, %select_n3A_214 : vector<16xi1>, vector<16xi32>
        %mul3A_231 = arith.constant 16 : i32
        %mul3A_232 = arith.muli %scan3A_150, %mul3A_231 : i32
        %add3A_233 = arith.constant 5 : i32
        %add3A_234 = arith.addi %mul3A_232, %add3A_233 : i32
        %mul3A_235 = arith.constant 16 : i32
        %mul3A_236 = arith.muli %add3A_234, %mul3A_235 : i32
        %get3A_237 = arith.constant 1 : i32
        %get3A_238 = arith.index_cast %get3A_237 : i32 to index
        %get3A_239 = arith.index_cast %scan3A_72 : i32 to index
        %get3A_240 = arith.index_cast %mul3A_236 : i32 to index
        %get3A_241 = tpu.vector_load %arg4[%get3A_238, %get3A_239, %get3A_240] {strides = array<i32>} : memref<2x8x4096xf32, #tpu.memory_space<vmem>>, vector<1x1x16xf32>,
        %get3A_242 = vector.shape_cast %get3A_241 : vector<1x1x16xf32> to vector<16xf32>
        %broadcast_in_dim3A_243 = vector.broadcast %add3A_234 : i32 to vector<16xi32>
        %lt3A_244 = arith.cmpf olt, %get3A_242, %min3A_229 : vector<16xf32>
        %min3A_245 = arith.minimumf %get3A_242, %min3A_229 : vector<16xf32>
        %select_n3A_246 = arith.select %lt3A_244, %broadcast_in_dim3A_243, %select_n3A_230 : vector<16xi1>, vector<16xi32>
        %mul3A_247 = arith.constant 16 : i32
        %mul3A_248 = arith.muli %scan3A_150, %mul3A_247 : i32
        %add3A_249 = arith.constant 6 : i32
        %add3A_250 = arith.addi %mul3A_248, %add3A_249 : i32
        %mul3A_251 = arith.constant 16 : i32
        %mul3A_252 = arith.muli %add3A_250, %mul3A_251 : i32
        %get3A_253 = arith.constant 1 : i32
        %get3A_254 = arith.index_cast %get3A_253 : i32 to index
        %get3A_255 = arith.index_cast %scan3A_72 : i32 to index
        %get3A_256 = arith.index_cast %mul3A_252 : i32 to index
        %get3A_257 = tpu.vector_load %arg4[%get3A_254, %get3A_255, %get3A_256] {strides = array<i32>} : memref<2x8x4096xf32, #tpu.memory_space<vmem>>, vector<1x1x16xf32>,
        %get3A_258 = vector.shape_cast %get3A_257 : vector<1x1x16xf32> to vector<16xf32>
        %broadcast_in_dim3A_259 = vector.broadcast %add3A_250 : i32 to vector<16xi32>
        %lt3A_260 = arith.cmpf olt, %get3A_258, %min3A_245 : vector<16xf32>
        %min3A_261 = arith.minimumf %get3A_258, %min3A_245 : vector<16xf32>
        %select_n3A_262 = arith.select %lt3A_260, %broadcast_in_dim3A_259, %select_n3A_246 : vector<16xi1>, vector<16xi32>
        %mul3A_263 = arith.constant 16 : i32
        %mul3A_264 = arith.muli %scan3A_150, %mul3A_263 : i32
        %add3A_265 = arith.constant 7 : i32
        %add3A_266 = arith.addi %mul3A_264, %add3A_265 : i32
        %mul3A_267 = arith.constant 16 : i32
        %mul3A_268 = arith.muli %add3A_266, %mul3A_267 : i32
        %get3A_269 = arith.constant 1 : i32
        %get3A_270 = arith.index_cast %get3A_269 : i32 to index
        %get3A_271 = arith.index_cast %scan3A_72 : i32 to index
        %get3A_272 = arith.index_cast %mul3A_268 : i32 to index
        %get3A_273 = tpu.vector_load %arg4[%get3A_270, %get3A_271, %get3A_272] {strides = array<i32>} : memref<2x8x4096xf32, #tpu.memory_space<vmem>>, vector<1x1x16xf32>,
        %get3A_274 = vector.shape_cast %get3A_273 : vector<1x1x16xf32> to vector<16xf32>
        %broadcast_in_dim3A_275 = vector.broadcast %add3A_266 : i32 to vector<16xi32>
        %lt3A_276 = arith.cmpf olt, %get3A_274, %min3A_261 : vector<16xf32>
        %min3A_277 = arith.minimumf %get3A_274, %min3A_261 : vector<16xf32>
        %select_n3A_278 = arith.select %lt3A_276, %broadcast_in_dim3A_275, %select_n3A_262 : vector<16xi1>, vector<16xi32>
        %mul3A_279 = arith.constant 16 : i32
        %mul3A_280 = arith.muli %scan3A_150, %mul3A_279 : i32
        %add3A_281 = arith.constant 8 : i32
        %add3A_282 = arith.addi %mul3A_280, %add3A_281 : i32
        %mul3A_283 = arith.constant 16 : i32
        %mul3A_284 = arith.muli %add3A_282, %mul3A_283 : i32
        %get3A_285 = arith.constant 1 : i32
        %get3A_286 = arith.index_cast %get3A_285 : i32 to index
        %get3A_287 = arith.index_cast %scan3A_72 : i32 to index
        %get3A_288 = arith.index_cast %mul3A_284 : i32 to index
        %get3A_289 = tpu.vector_load %arg4[%get3A_286, %get3A_287, %get3A_288] {strides = array<i32>} : memref<2x8x4096xf32, #tpu.memory_space<vmem>>, vector<1x1x16xf32>,
        %get3A_290 = vector.shape_cast %get3A_289 : vector<1x1x16xf32> to vector<16xf32>
        %broadcast_in_dim3A_291 = vector.broadcast %add3A_282 : i32 to vector<16xi32>
        %lt3A_292 = arith.cmpf olt, %get3A_290, %min3A_277 : vector<16xf32>
        %min3A_293 = arith.minimumf %get3A_290, %min3A_277 : vector<16xf32>
        %select_n3A_294 = arith.select %lt3A_292, %broadcast_in_dim3A_291, %select_n3A_278 : vector<16xi1>, vector<16xi32>
        %mul3A_295 = arith.constant 16 : i32
        %mul3A_296 = arith.muli %scan3A_150, %mul3A_295 : i32
        %add3A_297 = arith.constant 9 : i32
        %add3A_298 = arith.addi %mul3A_296, %add3A_297 : i32
        %mul3A_299 = arith.constant 16 : i32
        %mul3A_300 = arith.muli %add3A_298, %mul3A_299 : i32
        %get3A_301 = arith.constant 1 : i32
        %get3A_302 = arith.index_cast %get3A_301 : i32 to index
        %get3A_303 = arith.index_cast %scan3A_72 : i32 to index
        %get3A_304 = arith.index_cast %mul3A_300 : i32 to index
        %get3A_305 = tpu.vector_load %arg4[%get3A_302, %get3A_303, %get3A_304] {strides = array<i32>} : memref<2x8x4096xf32, #tpu.memory_space<vmem>>, vector<1x1x16xf32>,
        %get3A_306 = vector.shape_cast %get3A_305 : vector<1x1x16xf32> to vector<16xf32>
        %broadcast_in_dim3A_307 = vector.broadcast %add3A_298 : i32 to vector<16xi32>
        %lt3A_308 = arith.cmpf olt, %get3A_306, %min3A_293 : vector<16xf32>
        %min3A_309 = arith.minimumf %get3A_306, %min3A_293 : vector<16xf32>
        %select_n3A_310 = arith.select %lt3A_308, %broadcast_in_dim3A_307, %select_n3A_294 : vector<16xi1>, vector<16xi32>
        %mul3A_311 = arith.constant 16 : i32
        %mul3A_312 = arith.muli %scan3A_150, %mul3A_311 : i32
        %add3A_313 = arith.constant 10 : i32
        %add3A_314 = arith.addi %mul3A_312, %add3A_313 : i32
        %mul3A_315 = arith.constant 16 : i32
        %mul3A_316 = arith.muli %add3A_314, %mul3A_315 : i32
        %get3A_317 = arith.constant 1 : i32
        %get3A_318 = arith.index_cast %get3A_317 : i32 to index
        %get3A_319 = arith.index_cast %scan3A_72 : i32 to index
        %get3A_320 = arith.index_cast %mul3A_316 : i32 to index
        %get3A_321 = tpu.vector_load %arg4[%get3A_318, %get3A_319, %get3A_320] {strides = array<i32>} : memref<2x8x4096xf32, #tpu.memory_space<vmem>>, vector<1x1x16xf32>,
        %get3A_322 = vector.shape_cast %get3A_321 : vector<1x1x16xf32> to vector<16xf32>
        %broadcast_in_dim3A_323 = vector.broadcast %add3A_314 : i32 to vector<16xi32>
        %lt3A_324 = arith.cmpf olt, %get3A_322, %min3A_309 : vector<16xf32>
        %min3A_325 = arith.minimumf %get3A_322, %min3A_309 : vector<16xf32>
        %select_n3A_326 = arith.select %lt3A_324, %broadcast_in_dim3A_323, %select_n3A_310 : vector<16xi1>, vector<16xi32>
        %mul3A_327 = arith.constant 16 : i32
        %mul3A_328 = arith.muli %scan3A_150, %mul3A_327 : i32
        %add3A_329 = arith.constant 11 : i32
        %add3A_330 = arith.addi %mul3A_328, %add3A_329 : i32
        %mul3A_331 = arith.constant 16 : i32
        %mul3A_332 = arith.muli %add3A_330, %mul3A_331 : i32
        %get3A_333 = arith.constant 1 : i32
        %get3A_334 = arith.index_cast %get3A_333 : i32 to index
        %get3A_335 = arith.index_cast %scan3A_72 : i32 to index
        %get3A_336 = arith.index_cast %mul3A_332 : i32 to index
        %get3A_337 = tpu.vector_load %arg4[%get3A_334, %get3A_335, %get3A_336] {strides = array<i32>} : memref<2x8x4096xf32, #tpu.memory_space<vmem>>, vector<1x1x16xf32>,
        %get3A_338 = vector.shape_cast %get3A_337 : vector<1x1x16xf32> to vector<16xf32>
        %broadcast_in_dim3A_339 = vector.broadcast %add3A_330 : i32 to vector<16xi32>
        %lt3A_340 = arith.cmpf olt, %get3A_338, %min3A_325 : vector<16xf32>
        %min3A_341 = arith.minimumf %get3A_338, %min3A_325 : vector<16xf32>
        %select_n3A_342 = arith.select %lt3A_340, %broadcast_in_dim3A_339, %select_n3A_326 : vector<16xi1>, vector<16xi32>
        %mul3A_343 = arith.constant 16 : i32
        %mul3A_344 = arith.muli %scan3A_150, %mul3A_343 : i32
        %add3A_345 = arith.constant 12 : i32
        %add3A_346 = arith.addi %mul3A_344, %add3A_345 : i32
        %mul3A_347 = arith.constant 16 : i32
        %mul3A_348 = arith.muli %add3A_346, %mul3A_347 : i32
        %get3A_349 = arith.constant 1 : i32
        %get3A_350 = arith.index_cast %get3A_349 : i32 to index
        %get3A_351 = arith.index_cast %scan3A_72 : i32 to index
        %get3A_352 = arith.index_cast %mul3A_348 : i32 to index
        %get3A_353 = tpu.vector_load %arg4[%get3A_350, %get3A_351, %get3A_352] {strides = array<i32>} : memref<2x8x4096xf32, #tpu.memory_space<vmem>>, vector<1x1x16xf32>,
        %get3A_354 = vector.shape_cast %get3A_353 : vector<1x1x16xf32> to vector<16xf32>
        %broadcast_in_dim3A_355 = vector.broadcast %add3A_346 : i32 to vector<16xi32>
        %lt3A_356 = arith.cmpf olt, %get3A_354, %min3A_341 : vector<16xf32>
        %min3A_357 = arith.minimumf %get3A_354, %min3A_341 : vector<16xf32>
        %select_n3A_358 = arith.select %lt3A_356, %broadcast_in_dim3A_355, %select_n3A_342 : vector<16xi1>, vector<16xi32>
        %mul3A_359 = arith.constant 16 : i32
        %mul3A_360 = arith.muli %scan3A_150, %mul3A_359 : i32
        %add3A_361 = arith.constant 13 : i32
        %add3A_362 = arith.addi %mul3A_360, %add3A_361 : i32
        %mul3A_363 = arith.constant 16 : i32
        %mul3A_364 = arith.muli %add3A_362, %mul3A_363 : i32
        %get3A_365 = arith.constant 1 : i32
        %get3A_366 = arith.index_cast %get3A_365 : i32 to index
        %get3A_367 = arith.index_cast %scan3A_72 : i32 to index
        %get3A_368 = arith.index_cast %mul3A_364 : i32 to index
        %get3A_369 = tpu.vector_load %arg4[%get3A_366, %get3A_367, %get3A_368] {strides = array<i32>} : memref<2x8x4096xf32, #tpu.memory_space<vmem>>, vector<1x1x16xf32>,
        %get3A_370 = vector.shape_cast %get3A_369 : vector<1x1x16xf32> to vector<16xf32>
        %broadcast_in_dim3A_371 = vector.broadcast %add3A_362 : i32 to vector<16xi32>
        %lt3A_372 = arith.cmpf olt, %get3A_370, %min3A_357 : vector<16xf32>
        %min3A_373 = arith.minimumf %get3A_370, %min3A_357 : vector<16xf32>
        %select_n3A_374 = arith.select %lt3A_372, %broadcast_in_dim3A_371, %select_n3A_358 : vector<16xi1>, vector<16xi32>
        %mul3A_375 = arith.constant 16 : i32
        %mul3A_376 = arith.muli %scan3A_150, %mul3A_375 : i32
        %add3A_377 = arith.constant 14 : i32
        %add3A_378 = arith.addi %mul3A_376, %add3A_377 : i32
        %mul3A_379 = arith.constant 16 : i32
        %mul3A_380 = arith.muli %add3A_378, %mul3A_379 : i32
        %get3A_381 = arith.constant 1 : i32
        %get3A_382 = arith.index_cast %get3A_381 : i32 to index
        %get3A_383 = arith.index_cast %scan3A_72 : i32 to index
        %get3A_384 = arith.index_cast %mul3A_380 : i32 to index
        %get3A_385 = tpu.vector_load %arg4[%get3A_382, %get3A_383, %get3A_384] {strides = array<i32>} : memref<2x8x4096xf32, #tpu.memory_space<vmem>>, vector<1x1x16xf32>,
        %get3A_386 = vector.shape_cast %get3A_385 : vector<1x1x16xf32> to vector<16xf32>
        %broadcast_in_dim3A_387 = vector.broadcast %add3A_378 : i32 to vector<16xi32>
        %lt3A_388 = arith.cmpf olt, %get3A_386, %min3A_373 : vector<16xf32>
        %min3A_389 = arith.minimumf %get3A_386, %min3A_373 : vector<16xf32>
        %select_n3A_390 = arith.select %lt3A_388, %broadcast_in_dim3A_387, %select_n3A_374 : vector<16xi1>, vector<16xi32>
        %mul3A_391 = arith.constant 16 : i32
        %mul3A_392 = arith.muli %scan3A_150, %mul3A_391 : i32
        %add3A_393 = arith.constant 15 : i32
        %add3A_394 = arith.addi %mul3A_392, %add3A_393 : i32
        %mul3A_395 = arith.constant 16 : i32
        %mul3A_396 = arith.muli %add3A_394, %mul3A_395 : i32
        %get3A_397 = arith.constant 1 : i32
        %get3A_398 = arith.index_cast %get3A_397 : i32 to index
        %get3A_399 = arith.index_cast %scan3A_72 : i32 to index
        %get3A_400 = arith.index_cast %mul3A_396 : i32 to index
        %get3A_401 = tpu.vector_load %arg4[%get3A_398, %get3A_399, %get3A_400] {strides = array<i32>} : memref<2x8x4096xf32, #tpu.memory_space<vmem>>, vector<1x1x16xf32>,
        %get3A_402 = vector.shape_cast %get3A_401 : vector<1x1x16xf32> to vector<16xf32>
        %broadcast_in_dim3A_403 = vector.broadcast %add3A_394 : i32 to vector<16xi32>
        %lt3A_404 = arith.cmpf olt, %get3A_402, %min3A_389 : vector<16xf32>
        %min3A_405 = arith.minimumf %get3A_402, %min3A_389 : vector<16xf32>
        %select_n3A_406 = arith.select %lt3A_404, %broadcast_in_dim3A_403, %select_n3A_390 : vector<16xi1>, vector<16xi32>
        scf.yield %min3A_405, %select_n3A_406 : vector<16xf32>, vector<16xi32>
      }
      %scan3A_86 = arith.constant 16 : i32
      %mul3A_87 = arith.constant 16 : i32
      %mul3A_88 = vector.broadcast %mul3A_87 : i32 to vector<16xi32>
      %mul3A_89 = arith.muli %scan3A_85#1, %mul3A_88 : vector<16xi32>
      %add3A_90 = arith.addi %mul3A_89, %iota3A : vector<16xi32>
      %xor3A = arith.constant 8 : i32
      %xor3A_91 = vector.broadcast %xor3A : i32 to vector<16xi32>
      %xor3A_92 = arith.xori %iota3A, %xor3A_91 : vector<16xi32>
      %broadcast_in_dim3A_93 = vector.shape_cast %xor3A_92 : vector<16xi32> to vector<16x1xi32>
      %gather3A = vector.shape_cast %broadcast_in_dim3A_93 : vector<16x1xi32> to vector<16xi32>
      %gather3A_94 = tpu.dynamic_gather %scan3A_85#0[%gather3A] in [0] : vector<16xf32>, vector<16xi32> -> vector<16xf32>
      %broadcast_in_dim3A_95 = vector.shape_cast %xor3A_92 : vector<16xi32> to vector<16x1xi32>
      %gather3A_96 = vector.shape_cast %broadcast_in_dim3A_95 : vector<16x1xi32> to vector<16xi32>
      %gather3A_97 = tpu.dynamic_gather %add3A_90[%gather3A_96] in [0] : vector<16xi32>, vector<16xi32> -> vector<16xi32>
      %lt3A = arith.cmpf olt, %gather3A_94, %scan3A_85#0 : vector<16xf32>
      %eq3A_98 = arith.cmpf oeq, %gather3A_94, %scan3A_85#0 : vector<16xf32>
      %lt3A_99 = arith.cmpi slt, %gather3A_97, %add3A_90 : vector<16xi32>
      %and3A = arith.andi %eq3A_98, %lt3A_99 : vector<16xi1>
      %or3A = arith.ori %lt3A, %and3A : vector<16xi1>
      %select_n3A = arith.select %or3A, %gather3A_94, %scan3A_85#0 : vector<16xi1>, vector<16xf32>
      %select_n3A_100 = arith.select %or3A, %gather3A_97, %add3A_90 : vector<16xi1>, vector<16xi32>
      %xor3A_101 = arith.constant 4 : i32
      %xor3A_102 = vector.broadcast %xor3A_101 : i32 to vector<16xi32>
      %xor3A_103 = arith.xori %iota3A, %xor3A_102 : vector<16xi32>
      %broadcast_in_dim3A_104 = vector.shape_cast %xor3A_103 : vector<16xi32> to vector<16x1xi32>
      %gather3A_105 = vector.shape_cast %broadcast_in_dim3A_104 : vector<16x1xi32> to vector<16xi32>
      %gather3A_106 = tpu.dynamic_gather %select_n3A[%gather3A_105] in [0] : vector<16xf32>, vector<16xi32> -> vector<16xf32>
      %broadcast_in_dim3A_107 = vector.shape_cast %xor3A_103 : vector<16xi32> to vector<16x1xi32>
      %gather3A_108 = vector.shape_cast %broadcast_in_dim3A_107 : vector<16x1xi32> to vector<16xi32>
      %gather3A_109 = tpu.dynamic_gather %select_n3A_100[%gather3A_108] in [0] : vector<16xi32>, vector<16xi32> -> vector<16xi32>
      %lt3A_110 = arith.cmpf olt, %gather3A_106, %select_n3A : vector<16xf32>
      %eq3A_111 = arith.cmpf oeq, %gather3A_106, %select_n3A : vector<16xf32>
      %lt3A_112 = arith.cmpi slt, %gather3A_109, %select_n3A_100 : vector<16xi32>
      %and3A_113 = arith.andi %eq3A_111, %lt3A_112 : vector<16xi1>
      %or3A_114 = arith.ori %lt3A_110, %and3A_113 : vector<16xi1>
      %select_n3A_115 = arith.select %or3A_114, %gather3A_106, %select_n3A : vector<16xi1>, vector<16xf32>
      %select_n3A_116 = arith.select %or3A_114, %gather3A_109, %select_n3A_100 : vector<16xi1>, vector<16xi32>
      %xor3A_117 = arith.constant 2 : i32
      %xor3A_118 = vector.broadcast %xor3A_117 : i32 to vector<16xi32>
      %xor3A_119 = arith.xori %iota3A, %xor3A_118 : vector<16xi32>
      %broadcast_in_dim3A_120 = vector.shape_cast %xor3A_119 : vector<16xi32> to vector<16x1xi32>
      %gather3A_121 = vector.shape_cast %broadcast_in_dim3A_120 : vector<16x1xi32> to vector<16xi32>
      %gather3A_122 = tpu.dynamic_gather %select_n3A_115[%gather3A_121] in [0] : vector<16xf32>, vector<16xi32> -> vector<16xf32>
      %broadcast_in_dim3A_123 = vector.shape_cast %xor3A_119 : vector<16xi32> to vector<16x1xi32>
      %gather3A_124 = vector.shape_cast %broadcast_in_dim3A_123 : vector<16x1xi32> to vector<16xi32>
      %gather3A_125 = tpu.dynamic_gather %select_n3A_116[%gather3A_124] in [0] : vector<16xi32>, vector<16xi32> -> vector<16xi32>
      %lt3A_126 = arith.cmpf olt, %gather3A_122, %select_n3A_115 : vector<16xf32>
      %eq3A_127 = arith.cmpf oeq, %gather3A_122, %select_n3A_115 : vector<16xf32>
      %lt3A_128 = arith.cmpi slt, %gather3A_125, %select_n3A_116 : vector<16xi32>
      %and3A_129 = arith.andi %eq3A_127, %lt3A_128 : vector<16xi1>
      %or3A_130 = arith.ori %lt3A_126, %and3A_129 : vector<16xi1>
      %select_n3A_131 = arith.select %or3A_130, %gather3A_122, %select_n3A_115 : vector<16xi1>, vector<16xf32>
      %select_n3A_132 = arith.select %or3A_130, %gather3A_125, %select_n3A_116 : vector<16xi1>, vector<16xi32>
      %xor3A_133 = arith.constant 1 : i32
      %xor3A_134 = vector.broadcast %xor3A_133 : i32 to vector<16xi32>
      %xor3A_135 = arith.xori %iota3A, %xor3A_134 : vector<16xi32>
      %broadcast_in_dim3A_136 = vector.shape_cast %xor3A_135 : vector<16xi32> to vector<16x1xi32>
      %gather3A_137 = vector.shape_cast %broadcast_in_dim3A_136 : vector<16x1xi32> to vector<16xi32>
      %gather3A_138 = tpu.dynamic_gather %select_n3A_131[%gather3A_137] in [0] : vector<16xf32>, vector<16xi32> -> vector<16xf32>
      %broadcast_in_dim3A_139 = vector.shape_cast %xor3A_135 : vector<16xi32> to vector<16x1xi32>
      %gather3A_140 = vector.shape_cast %broadcast_in_dim3A_139 : vector<16x1xi32> to vector<16xi32>
      %gather3A_141 = tpu.dynamic_gather %select_n3A_132[%gather3A_140] in [0] : vector<16xi32>, vector<16xi32> -> vector<16xi32>
      %lt3A_142 = arith.cmpf olt, %gather3A_138, %select_n3A_131 : vector<16xf32>
      %eq3A_143 = arith.cmpf oeq, %gather3A_138, %select_n3A_131 : vector<16xf32>
      %lt3A_144 = arith.cmpi slt, %gather3A_141, %select_n3A_132 : vector<16xi32>
      %and3A_145 = arith.andi %eq3A_143, %lt3A_144 : vector<16xi1>
      %or3A_146 = arith.ori %lt3A_142, %and3A_145 : vector<16xi1>
      %select_n3A_147 = arith.select %or3A_146, %gather3A_138, %select_n3A_131 : vector<16xi1>, vector<16xf32>
      %select_n3A_148 = arith.select %or3A_146, %gather3A_141, %select_n3A_132 : vector<16xi1>, vector<16xi32>
      %select_n3A_149 = arith.select %eq3A_76, %select_n3A_148, %scan3A_73 : vector<16xi1>, vector<16xi32>
      scf.yield %select_n3A_149 : vector<16xi32>
    }
    %scan3A_68 = arith.constant 8 : i32
    %swap3A = arith.constant 0 : index
    %swap3A_69 = tpu.vector_load %arg5[%swap3A] {strides = array<i32>} : memref<16xi32, #tpu.memory_space<vmem>>, vector<16xi32>,
    %swap3A_70 = vector.shape_cast %swap3A_69 : vector<16xi32> to vector<16xi32>
    %swap3A_71 = vector.shape_cast %scan3A_67 : vector<16xi32> to vector<16xi32>
    tpu.vector_store %arg5[%swap3A], %swap3A_71 {strides = array<i32>} : memref<16xi32, #tpu.memory_space<vmem>>, vector<16xi32>,
    "tpu.region"() ({
      %run_scoped3A = tpu.sem_alloc : memref<!tpu.dma_semaphore, #tpu.memory_space<semaphore_mem>>
      %dma_start3A_72 = tpu.memref_slice %arg3[%mul3A_2] : memref<512xi32, #tpu.memory_space<hbm>> -> memref<16xi32, #tpu.memory_space<hbm>>
      %dma_start3A_73 = tpu.memref_slice %arg3[%mul3A_2] : memref<512xi32, #tpu.memory_space<hbm>> -> memref<16xi32, #tpu.memory_space<hbm>>
      tpu.enqueue_dma source(%arg5 : memref<16xi32, #tpu.memory_space<vmem>>) target(%dma_start3A_73 : memref<16xi32, #tpu.memory_space<hbm>>) target_semaphore(%run_scoped3A : memref<!tpu.dma_semaphore, #tpu.memory_space<semaphore_mem>>)
      %dma_wait3A_74 = tpu.memref_slice %arg3[%mul3A_2] : memref<512xi32, #tpu.memory_space<hbm>> -> memref<16xi32, #tpu.memory_space<hbm>>
      %dma_wait3A_75 = tpu.memref_slice %arg3[%mul3A_2] : memref<512xi32, #tpu.memory_space<hbm>> -> memref<16xi32, #tpu.memory_space<hbm>>
      tpu.wait_dma2 semaphore(%run_scoped3A : memref<!tpu.dma_semaphore, #tpu.memory_space<semaphore_mem>>) src(%arg5 : memref<16xi32, #tpu.memory_space<vmem>>) dst(%dma_wait3A_75 : memref<16xi32, #tpu.memory_space<hbm>>)
      tpu.yield
    }) : () -> ()
    return
  }
}

module attributes {stable_mosaic.version = 14 : i64} {
  func.func @_tc_dist_body(%arg0: i32, %arg1: memref<64x1024xf32, #tpu.memory_space<vmem>>, %arg2: memref<64x512xf32, #tpu.memory_space<vmem>>, %arg3: memref<512x1024xf32, #tpu.memory_space<vmem>>, %arg4: memref<1024xf32, #tpu.memory_space<vmem>>) attributes {dimension_semantics = [#tpu.dimension_semantics<parallel>], iteration_bounds = array<i64: 4>, scalar_prefetch = 0 : i64, scratch_operands = 0 : i64, tpu.core_type = #tpu.core_type<tc>, window_params = [{transform_indices = @transform_0, window_bounds = array<i64: 64, 1024>}, {pipeline_mode = #tpu.pipeline_mode<synchronous>, transform_indices = @transform_1, window_bounds = array<i64: 64, 512>}, {transform_indices = @transform_2, window_bounds = array<i64: 512, 1024>}, {transform_indices = @transform_3, window_bounds = array<i64: 1024>}]} {
    %get3A = arith.constant 0 : index
    %get3A_0 = arith.constant 0 : index
    %get3A_1 = vector.load %arg1[%get3A, %get3A_0] : memref<64x1024xf32, #tpu.memory_space<vmem>>, vector<64x1024xf32>
    %get3A_2 = arith.constant 0 : index
    %get3A_3 = arith.constant 0 : index
    %get3A_4 = vector.load %arg2[%get3A_2, %get3A_3] : memref<64x512xf32, #tpu.memory_space<vmem>>, vector<64x512xf32>
    %dot_general3A = arith.constant dense<0.000000e+00> : vector<512x1024xf32>
    %dot_general3A_5 = tpu.matmul %get3A_4, %get3A_1, %dot_general3A {dimension_numbers = #tpu.dot_dimension_numbers<[0], [0], [1], [1], [0, 1, 1, 1], [], []>, precision = #tpu.contract_precision<fp32>, transpose_lhs_hint = false} : vector<64x512xf32>, vector<64x1024xf32>, vector<512x1024xf32> -> vector<512x1024xf32>
    %mul3A = arith.mulf %get3A_4, %get3A_4 : vector<64x512xf32>
    %reduce_sum3A = arith.constant dense<0.000000e+00> : vector<512xf32>
    %reduce_sum3A_6 = vector.multi_reduction <add>, %mul3A, %reduce_sum3A [0] : vector<64x512xf32> to vector<512xf32>
    %mul3A_7 = arith.mulf %get3A_1, %get3A_1 : vector<64x1024xf32>
    %reduce_sum3A_8 = arith.constant dense<0.000000e+00> : vector<1024xf32>
    %reduce_sum3A_9 = vector.multi_reduction <add>, %mul3A_7, %reduce_sum3A_8 [0] : vector<64x1024xf32> to vector<1024xf32>
    %broadcast_in_dim3A = vector.shape_cast %reduce_sum3A_6 : vector<512xf32> to vector<512x1xf32>
    %broadcast_in_dim3A_10 = vector.shape_cast %reduce_sum3A_9 : vector<1024xf32> to vector<1x1024xf32>
    %add3A = vector.broadcast %broadcast_in_dim3A : vector<512x1xf32> to vector<512x1024xf32>
    %add3A_11 = vector.broadcast %broadcast_in_dim3A_10 : vector<1x1024xf32> to vector<512x1024xf32>
    %add3A_12 = arith.addf %add3A, %add3A_11 : vector<512x1024xf32>
    %mul3A_13 = arith.constant 2.000000e+00 : f32
    %mul3A_14 = vector.broadcast %mul3A_13 : f32 to vector<512x1024xf32>
    %mul3A_15 = arith.mulf %mul3A_14, %dot_general3A_5 : vector<512x1024xf32>
    %sub3A = arith.subf %add3A_12, %mul3A_15 : vector<512x1024xf32>
    %swap3A = arith.constant 0 : index
    %swap3A_16 = arith.constant 0 : index
    %swap3A_17 = vector.load %arg3[%swap3A, %swap3A_16] : memref<512x1024xf32, #tpu.memory_space<vmem>>, vector<512x1024xf32>
    tpu.vector_store %arg3[%swap3A, %swap3A_16], %sub3A {strides = array<i32>} : memref<512x1024xf32, #tpu.memory_space<vmem>>, vector<512x1024xf32>,
    %reduce_min3A = arith.constant dense<0x7F800000> : vector<1024xf32>
    %reduce_min3A_18 = vector.multi_reduction <minimumf>, %sub3A, %reduce_min3A [0] : vector<512x1024xf32> to vector<1024xf32>
    %max3A = arith.constant 0.000000e+00 : f32
    %max3A_19 = vector.broadcast %max3A : f32 to vector<1024xf32>
    %max3A_20 = arith.maximumf %reduce_min3A_18, %max3A_19 : vector<1024xf32>
    %sqrt3A = math.sqrt %max3A_20 : vector<1024xf32>
    %swap3A_21 = arith.constant 0 : index
    %swap3A_22 = vector.load %arg4[%swap3A_21] : memref<1024xf32, #tpu.memory_space<vmem>>, vector<1024xf32>
    tpu.vector_store %arg4[%swap3A_21], %sqrt3A {strides = array<i32>} : memref<1024xf32, #tpu.memory_space<vmem>>, vector<1024xf32>,
    return
  }
  func.func @transform_0(%arg0: i32) -> (i32, i32) {
    %c0_i32 = arith.constant 0 : i32
    %c0_i32_0 = arith.constant 0 : i32
    return %c0_i32, %arg0 : i32, i32
  }
  func.func @transform_1(%arg0: i32) -> (i32, i32) {
    %c0_i32 = arith.constant 0 : i32
    %c0_i32_0 = arith.constant 0 : i32
    %c0_i32_1 = arith.constant 0 : i32
    return %c0_i32, %c0_i32_0 : i32, i32
  }
  func.func @transform_2(%arg0: i32) -> (i32, i32) {
    %c0_i32 = arith.constant 0 : i32
    %c0_i32_0 = arith.constant 0 : i32
    return %c0_i32, %arg0 : i32, i32
  }
  func.func @transform_3(%arg0: i32) -> i32 {
    %c0_i32 = arith.constant 0 : i32
    return %arg0 : i32
  }
}

</mosaic_0001>

<sc_bundles>
// kernel: kernel.4.cloned.1.call-start
scs
__scs_entry_jumppad:
0x0: {  	(pc) =	sbr.rel $0x88, $3  }
0x1: {  	(tag) =	ssettag $0x0;
	lr =	simm.s32 $0x1  }
0x2: {  	[smem:$0x3F9F] =	sst lr;
	_ =	strace $0xD0000000  }
0x3: {  	_ = 	snop  }
0x4: {  	_ = 	snop  }
0x5: {  	_ = 	snop  }
0x6: {  	_ = 	snop  }
0x7: {  	_ = 	snop  }
__scs_overlays_trampoline_lowered:
0x8: {  	[smem:$0x3FAE] =	sst s0  }
0x9: {  	[smem:$0x3FAF] =	sst s1  }
0xa: {  	[smem:$0x3FB0] =	sst s2  }
0xb: {  	[smem:$0x3FB1] =	sst s3  }
0xc: {  	[smem:$0x3FB2] =	sst s4  }
0xd: {  	[smem:$0x3FB3] =	sst s5  }
0xe: {  	[smem:$0x3FB4] =	sst s6  }
0xf: {  	[smem:$0x3FB5] =	sst s7  }
0x10: {  	[smem:$0x3FB6] =	sst s8  }
0x11: {  	[smem:$0x3FB7] =	sst s9;
	s0 =	simm.s32 @!p0 $0x0  }
0x12: {  	s1 =	sld [smem:$0x3F9D];
	s0 =	simm.s32 @p0 $0x1  }
0x13: {  	[smem:$0x3FB8] =	sst s0;
	s0 =	simm.s32 @!p1 $0x0  }
0x14: {  	s2 =	sld [smem:$0x3F9C];
	s0 =	simm.s32 @p1 $0x1  }
0x15: {  	[smem:$0x3FB9] =	sst s0;
	s0 =	simm.s32 @!p2 $0x0  }
0x16: {  	s3 =	sld [smem:$0x3FDB];
	s0 =	simm.s32 @p2 $0x1  }
0x17: {  	s4 =	simm.s32 $0x1BF5;
	[smem:$0x3FBB] =	sst s0  }
0x18: {  	s0 =	sld [smem:$0x3F9E];
	_ =	swait.ge [sflag:s4], $0x0  }
0x19: {  	s7 =	sld [smem:$0x3F9F]  }
0x1a: {  	s8 =	sadd.s32 $0xFFFFE003, lr  }
0x1b: {  	s9 =	sadd.s32 $0xFFFFFEF7, lr;
	s5 =	simm.s32 $0xFFFFFFFF;
	p2 =	slt.u32 s8, $0xFFFFF086  }
0x1c: {  	p1 =	slt.u32 s9, $0xF7A;
	s5 =	simm.s32 @!p2 $0x0  }
0x1d: {  	s5 =	simm.s32 @p1 $0x1;
	p0 =	seq.s32 s7, s2  }
0x1e: {  	s7 =	smul.u32 @!p0 $0xF7A, s2;
	p2 =	seq.s32 @!p0 s5, $0x0  }
0x1f: {  	s9 =	smul.u32 $0xF7A, s1;
	s8 =	simm.s32 @!p0 $0x1BF5;
	p2 =	por !p2, p0  }
0x20: {  	[sflag:s8] =	ssyncset.s32 @!p0 $0xFFFFF086;
	s6 =	sadd.s32 @!p0 s3, s7;
	s7 =	simm.s32 @!p0 $0x108  }
0x21: {  	s3 =	sadd.s32 s3, s9;
	s6 =	sadd.s32 @!p0 $0x88, s6;
	s7 =	simm.s32 @p2 $0x1082  }
0x22: {  	[simem:s7], [sflag:s8] =	dma.local @!p0 [hbm:s6], $0xF7A  }
0x23: {  	s9 =	sor.u32 $0xD0000000, s2;
	s6 =	simm.s32 $0x108;
	_ =	swait.ge @!p0 [sflag:s8], $0x0  }
0x24: {  	s3 =	sadd.s32 $0x88, s3;
	s6 =	simm.s32 @!p1 $0x1082;
	[sflag:s4] =	ssyncset.s32 $0xFFFFF086  }
0x25: {  	[simem:s6], [sflag:s4] =	dma.local [hbm:s3], $0xF7A  }
0x26: {  	[smem:$0x3F9F] =	sst s1;
	(tag) =	ssettag s2;
	_ =	strace s9  }
0x27: {  	s1 =	sld [smem:$0x3FAF]  }
0x28: {  	s2 =	sld [smem:$0x3FB0]  }
0x29: {  	s4 =	sld [smem:$0x3FB2]  }
0x2a: {  	p0 =	seq.s32 s5, $0x0;
	s5 =	sld [smem:$0x3FB3]  }
0x2b: {  	s6 =	sld [smem:$0x3FB4]  }
0x2c: {  	s7 =	sld [smem:$0x3FB5]  }
0x2d: {  	s3 =	simm.s32 $0x108;
	s8 =	sld [smem:$0x3FB6]  }
0x2e: {  	s3 =	simm.s32 @!p0 $0x1082;
	s9 =	sld [smem:$0x3FB7]  }
0x2f: {  	lr =	sadd.s32 s0, s3;
	s0 =	sld [smem:$0x3FAE]  }
0x30: {  	s3 =	sld [smem:$0x3FB1]  }
0x31: {  	[smem:$0x3FBA] =	sst s10  }
0x32: {  	s10 =	sld [smem:$0x3FB8];
	_ =	sdelay $0x3  }
0x33: {  	p0 =	seq.s32 s10, $0x1;
	s10 =	sld [smem:$0x3FBA];
	_ =	sdelay $0x3  }
0x34: {  	[smem:$0x3FBA] =	sst s10  }
0x35: {  	s10 =	sld [smem:$0x3FB9];
	_ =	sdelay $0x3  }
0x36: {  	p1 =	seq.s32 s10, $0x1;
	s10 =	sld [smem:$0x3FBA];
	_ =	sdelay $0x3  }
0x37: {  	[smem:$0x3FBA] =	sst s10  }
0x38: {  	s10 =	sld [smem:$0x3FBB]  }
0x39: {  	_ = 	snop;
	(pc) =	sbr.ind lr, $3  }
0x3a: {  	_ = 	snop  }
0x3b: {  	_ = 	snop  }
0x3c: {  	p2 =	seq.s32 s10, $0x1;
	s10 =	sld [smem:$0x3FBA]  }
0x3d: {  	_ =	shalt  }
0x3e: {  	_ =	shalt  }
0x3f: {  	_ =	shalt  }
0x40: {  	_ =	shalt  }
0x41: {  	_ =	shalt  }
0x42: {  	_ =	shalt  }
0x43: {  	_ =	shalt  }
0x44: {  	_ =	shalt  }
0x45: {  	_ =	shalt  }
0x46: {  	_ =	shalt  }
0x47: {  	_ =	shalt  }
0x48: {  	_ =	shalt  }
0x49: {  	_ =	shalt  }
0x4a: {  	_ =	shalt  }
0x4b: {  	_ =	shalt  }
0x4c: {  	_ =	shalt  }
0x4d: {  	_ =	shalt  }
0x4e: {  	_ =	shalt  }
0x4f: {  	_ =	shalt  }
0x50: {  	_ =	shalt  }
0x51: {  	_ =	shalt  }
0x52: {  	_ =	shalt  }
0x53: {  	_ =	shalt  }
0x54: {  	_ =	shalt  }
0x55: {  	_ =	shalt  }
0x56: {  	_ =	shalt  }
0x57: {  	_ =	shalt  }
0x58: {  	_ =	shalt  }
0x59: {  	_ =	shalt  }
0x5a: {  	_ =	shalt  }
0x5b: {  	_ =	shalt  }
0x5c: {  	_ =	shalt  }
0x5d: {  	_ =	shalt  }
0x5e: {  	_ =	shalt  }
0x5f: {  	_ =	shalt  }
0x60: {  	_ =	shalt  }
0x61: {  	_ =	shalt  }
0x62: {  	_ =	shalt  }
0x63: {  	_ =	shalt  }
0x64: {  	_ =	shalt  }
0x65: {  	_ =	shalt  }
0x66: {  	_ =	shalt  }
0x67: {  	_ =	shalt  }
0x68: {  	_ =	shalt  }
0x69: {  	_ =	shalt  }
0x6a: {  	_ =	shalt  }
0x6b: {  	_ =	shalt  }
0x6c: {  	_ =	shalt  }
0x6d: {  	_ =	shalt  }
0x6e: {  	_ =	shalt  }
0x6f: {  	_ =	shalt  }
0x70: {  	_ =	shalt  }
0x71: {  	_ =	shalt  }
0x72: {  	_ =	shalt  }
0x73: {  	_ =	shalt  }
0x74: {  	_ =	shalt  }
0x75: {  	_ =	shalt  }
0x76: {  	_ =	shalt  }
0x77: {  	_ =	shalt  }
0x78: {  	_ =	shalt  }
0x79: {  	_ =	shalt  }
0x7a: {  	_ =	shalt  }
0x7b: {  	_ =	shalt  }
0x7c: {  	_ =	shalt  }
0x7d: {  	_ =	shalt  }
0x7e: {  	_ =	shalt  }
0x7f: {  	_ =	shalt  }
0x80: {  	_ =	shalt  }
0x81: {  	_ =	shalt  }
0x82: {  	_ =	shalt  }
0x83: {  	_ =	shalt  }
0x84: {  	_ =	shalt  }
0x85: {  	_ =	shalt  }
0x86: {  	_ =	shalt  }
0x87: {  	_ =	shalt  }
.Lfunc_end0:
.L_simem_size_0:
called_computation_lowered:
.L_overlay_start_0:
0x88: {  	s2 =	sld [smem:$0x3FD9]  }
0x89: {  	s3 =	sld [smem:$0x3FFE];
	_ =	sdelay $0x1  }
0x8a: {  	s1 =	srdreg.scid  }
0x8b: {  	s0 =	sand.u32 $0x1, s1  }
0x8c: {  	s14 =	sshll.u32 s0, $0xA;
	s2 =	sadd.s32 s3, s2  }
0x8d: {  	s2 =	sadd.s32 s2, s14  }
0x8e: {  	[smem:$0x3FC6] =	sst s2  }
0x8f: {  	_ = 	snop  }
0x90: {  	s2 =	sld [smem:$0x3FD0];
	_ =	sdelay $0x2  }
0x91: {  	s15 =	simm.s32 $0xA;
	s4 =	simm.s32 $0x10  }
0x92: {  	[smem:s4], [sflag:s15] =	dma.local [hbm:s2], $0x1  }
0x93: {  	_ =	swait.eq [sflag:s15], $0x1  }
0x94: {  	[sflag:s15] =	ssyncset.done $0x0  }
0x95: {  	[sflag:s15] =	ssyncadd.s32 $0xFFFFFFFF  }
0x96: {  	s16 =	sld [smem:$0x10];
	(tm) =	ssettm $0x1  }
0x97: {  	s17 =	sld [smem:$0x3FFB];
	_ =	sdelay $0x3  }
0x98: {  	_ =	strace s17  }
0x99: {  	s3 =	sld [smem:$0x3FFC];
	_ =	sdelay $0x3  }
0x9a: {  	_ =	strace s3  }
0x9b: {  	s3 =	sld [smem:$0x3FFD];
	_ =	sdelay $0x3  }
0x9c: {  	_ =	strace s3  }
0x9d: {  	_ =	strace $0x8FFFFFFF  }
0x9e: {  	s18 =	sld [smem:$0x3FDB];
	_ =	sdelay $0x1  }
0x9f: {  	s19 =	simm.s32 $_scs_section_size  }
0xa0: {  	s5 =	simm.s32 $_size__tile_overlayer_lowered;
	s6 =	simm.s32 $_tile_overlayer_lowered  }
0xa1: {  	s22 =	simm.s32 $0x1BFF;
	s21 =	sshll.u32 s6, $0x1;
	s3 =	sadd.s32 s19, s18  }
0xa2: {  	s7 =	simm.s32 $0x0;
	s20 =	sshll.u32 s5, $0x1;
	s5 =	sadd.s32 s21, s3  }
0xa3: {  	[timem:s7], [sflag:s22] =	dma.local [hbm:s5], s20  }
0xa4: {  	_ =	swait.ge [sflag:s22], s20  }
0xa5: {  	s4 =	ssub.s32 $0x0, s20;
	[sflag:s22] =	ssyncset.done $0x0  }
0xa6: {  	[sflag:s22] =	ssyncadd.s32 s4;
	_ =	sdelay $0x1  }
0xa7: {  	s23 =	simm.s32 $0x1B8B  }
0xa8: {  	_ =	swait.ge [sflag:s23], $0x1  }
0xa9: {  	[sflag:s23] =	ssyncset.done $0x0  }
0xaa: {  	s25 =	simm.s32 $0x1B8E;
	s24 =	sld [smem:$0x3FFE];
	[sflag:s23] =	ssyncadd.s32 $0xFFFFFFFF  }
0xab: {  	s26 =	simm.s32 $execute0_lowered;
	[smem:$0x3FD2] =	sst s25  }
0xac: {  	s5 =	sshll.u32 s26, $0x1;
	_ =	strace $0x80000046;
	[dreg:$0x1] =	wrdreg $0xFFFFFFFF  }
0xad: {  	s28 =	simm.s32 $_size_execute0_lowered;
	s3 =	sadd.s32 s3, s5;
	[dreg:$0x0] =	wrdreg $0x0  }
0xae: {  	s5 =	sshll.u32 s28, $0x1;
	[dreg:$0x2] =	wrdreg s3  }
0xaf: {  	[dreg:$0x3] =	wrdreg s5  }
0xb0: {  	[dreg:$0x4] =	wrdreg $0xC0  }
0xb1: {  	_ =	task [dreg:s7], $0x5FFFF  }
0xb2: {  	[dreg:$0x1] =	wrdreg $0xFFFFFFFF  }
0xb3: {  	[dreg:$0x0] =	wrdreg $0x60  }
0xb4: {  	[dreg:$0x2] =	wrdreg s24  }
0xb5: {  	[dreg:$0x3] =	wrdreg s16  }
0xb6: {  	[dreg:$0x4] =	wrdreg $0x9  }
0xb7: {  	_ =	task.clear_ibuf [dreg:s7], $0x5FFFF;
	_ =	strace $0x90000046  }
0xb8: {  	s29 =	simm.s32 $0x9;
	_ =	strace $0x80000048  }
0xb9: {  	_ =	swait.ge [sflag:s29], $0x1  }
0xba: {  	[sflag:s29] =	ssyncadd.s32 $0xFFFFFFFF  }
0xbb: {  	_ =	strace $0x90000048  }
0xbc: {  	_ =	sfence  }
0xbd: {  	s30 =	sld [smem:$0x0];
	_ =	sdelay $0x2  }
0xbe: {  	s31 =	sshll.u32 s1, $0xD;
	s1 =	sshrl.u32 s1, $0x2  }
0xbf: {  	s3 =	sand.u32 $0x4000, s31;
	s1 =	sadd.s32 s1, s30  }
0xc0: {  	s0 =	sor.u32 s3, s0;
	s1 =	sshll.u32 s1, $0x11  }
0xc1: {  	s0 =	sor.u32 s1, s0  }
0xc2: {  	s0 =	sadd.s32 $0x8F2B, s0  }
0xc3: {  	[sflag:s0] =	ssyncadd.remote.s32 $0x1  }
0xc4: {  	_ =	sfence.sel $0xFFFF  }
0xc5: {  	[dreg:$0x0] =	wrdreg $0xFFFFFFFF;
	(pc) =	sbr.abs _section_cstart, $3  }
0xc6: {  	[dreg:$0x1] =	wrdreg $0xFFFFFFFF  }
0xc7: {  	_ =	task.clear_ibuf [dreg:s7], $0x2FFFF;
	_ =	strace $0x9FFFFFFF  }
0xc8: {  	(tm) =	ssettm $0x7FFFFFFF  }
0xc9: {  	_ =	shalt  }
tec
execute0_lowered:
.L_overlay_start_1:
0x0: {  	(tag) =	ssettag $0x1  }
0x1: {  	v0 =	vimm.s32 $0xFEDCBA98;
	v1 =	vimm.s32 $0x76543210  }
0x2: {  	v2 =	vimm.s32 $0xBA98FEDC;
	v3 =	vimm.s32 $0x32107654;
	v4 =	vimm.s32 $0xDCFE98BA  }
0x3: {  	s1 =	srdreg.scid;
	s3 =	rddreg [dreg:$0x0];
	v5 =	vimm.s32 $0x54761032;
	v6 =	vimm.s32 $0xEFCDAB89;
	v7 =	vimm.s32 $0x67452301  }
0x4: {  	s0 =	stileid.u32;
	s5 =	rddreg [dreg:$0x1];
	v0 =	vunpack.c.l.s4.s8 v0;
	v1 =	vunpack.c.l.s4.s8 v1;
	v2 =	vunpack.c.l.s4.s8 v2  }
0x5: {  	s2 =	simm.s32 $0x0;
	s9 =	simm.s32 $0x2;
	s10 =	simm.s32 $0x10000;
	v3 =	vunpack.c.l.s4.s8 v3;
	v4 =	vunpack.c.l.s4.s8 v4;
	v5 =	vunpack.c.l.s4.s8 v5  }
0x6: {  	s11 =	simm.s32 $0x3;
	s12 =	simm.s32 $0x0;
	s4 =	sand.u32 $0x1, s1;
	v6 =	vunpack.c.l.s4.s8 v6;
	v7 =	vunpack.c.l.s4.s8 v7;
	v0 =	vunpack.c.0.s8.s32 v0  }
0x7: {  	s6 =	sshll.u32 s0, $0x5;
	s1 =	rddreg [dreg:$0x2];
	s7 =	sshll.u32 s4, $0x4;
	v2 =	vunpack.c.0.s8.s32 v2;
	v3 =	vunpack.c.0.s8.s32 v3;
	v4 =	vunpack.c.0.s8.s32 v4  }
0x8: {  	[smem:$0x7FF] =	sst s2;
	s4 =	ssub.s32 $0x2, s4;
	s6 =	sor.u32 s7, s6;
	v5 =	vunpack.c.0.s8.s32 v5;
	v6 =	vunpack.c.0.s8.s32 v6;
	v7 =	vunpack.c.0.s8.s32 v7  }
0x9: {  	_ =	strace $0x80000047;
	s31 =	sshrl.u32 s4, $0x1;
	v1 =	vunpack.c.0.s8.s32 v1;
	s7 =	sshll.u32 s6, $0x9;
	v2 =	vcombine.low v3, v2  }
0xa: {  	s8 =	ssub.s32 s4, s31;
	s6 =	sshrl.u32 s6, $0x3;
	s7 =	sadd.s32 s7, s3;
	v3 =	vcombine.low v5, v4;
	v4 =	vand.u32 $0xF, v0;
	v5 =	vcombine.low v7, v6  }
0xb: {  	s5 =	sadd.s32 s5, s6;
	s6 =	smax.u32 s8, $0x1;
	s8 =	simm.s32 $0x1;
	v0 =	vlaneseq.u32;
	v1 =	vcombine.low v4, v1  }
0xc: {  	s3 =	sadd.s32 $0xC00, s7;
	s4 =	sadd.s32 $0x1C00, s7;
	s7 =	simm.s32 $0x8000;
	v2 =	vand.u32 $0xF, v2;
	v3 =	vand.u32 $0xF, v3;
	v4 =	vand.u32 $0xF, v5  }
.LBB2_1:
0xd: {  	[tilespmem:s2], [sflag:$0x1] =	stream.linear.gather [hbm4b:s3+s2], $0x8000, $0x38;
	[tilespmem:$0x10080] =	vst v63  }
0xe: {  	_ = 	snop  }
0xf: {  	[tilespmem:s7], [sflag:$0x2] =	stream.linear.gather [hbm4b:s4+s2], $0x8000, $0x38;
	[tilespmem:$0x10080] =	vst v63  }
0x10: {  	_ =	swait.ge [sflag:s8], $0x8000  }
0x11: {  	[sflag:s8] =	ssyncset.done $0x0  }
0x12: {  	v6 =	vimm.s32 $0x40000000;
	s13 =	simm.s32 $0x400;
	v5 =	vimm.s32 $0x40000000;
	s14 =	simm.s32 $0x0;
	[sflag:s8] =	ssyncadd.s32 $0xFFFF8000  }
.LBB2_2:
0x13: {  	v8 =	vld [tilespmem:s13+$0xFFFFFC50]  }
0x14: {  	v9 =	vld [tilespmem:s13+$0xFFFFFC00]  }
0x15: {  	v10 =	vld [tilespmem:s13+$0xFFFFFC10]  }
0x16: {  	v11 =	vld [tilespmem:s13+$0xFFFFFC20]  }
0x17: {  	v12 =	vld [tilespmem:s13+$0xFFFFFC30]  }
0x18: {  	v13 =	vimm.f32 $+Inf;
	v14 =	vld [tilespmem:s13+$0xFFFFFC40]  }
0x19: {  	s16 =	simm.s32 $0x0;
	v15 =	vld [tilespmem:s13+$0x40];
	vm0 =	vlt.f32 v9, v13;
	v9 =	vmin.f32 v9, v13  }
0x1a: {  	s19 =	simm.s32 $0x1;
	v13 =	vsel vm0, s16, v6;
	vm0 =	vlt.f32 v10, v9;
	v9 =	vmin.f32 v10, v9;
	v10 =	vld [tilespmem:s13+$0xFFFFFC60]  }
0x1b: {  	s20 =	simm.s32 $0x2;
	v13 =	vsel vm0, s19, v13;
	vm0 =	vlt.f32 v11, v9;
	v9 =	vmin.f32 v11, v9;
	v11 =	vld [tilespmem:s13+$0xFFFFFC70]  }
0x1c: {  	s21 =	simm.s32 $0x3;
	v13 =	vsel vm0, s20, v13;
	vm0 =	vlt.f32 v12, v9;
	v9 =	vmin.f32 v12, v9;
	v12 =	vld [tilespmem:s13+$0x0]  }
0x1d: {  	s22 =	simm.s32 $0x4;
	v13 =	vsel vm0, s21, v13;
	vm0 =	vlt.f32 v14, v9;
	v9 =	vmin.f32 v14, v9;
	v14 =	vld [tilespmem:s13+$0x10]  }
0x1e: {  	s23 =	simm.s32 $0x5;
	v13 =	vsel vm0, s22, v13;
	vm0 =	vlt.f32 v8, v9;
	v8 =	vmin.f32 v8, v9;
	v9 =	vld [tilespmem:s13+$0x20]  }
0x1f: {  	s24 =	simm.s32 $0x6;
	v13 =	vsel vm0, s23, v13;
	vm0 =	vlt.f32 v10, v8;
	v8 =	vmin.f32 v10, v8;
	v10 =	vld [tilespmem:s13+$0x30]  }
0x20: {  	s25 =	simm.s32 $0x7;
	v16 =	vld [tilespmem:s13+$0x70];
	v13 =	vsel vm0, s24, v13;
	vm0 =	vlt.f32 v11, v8;
	v8 =	vmin.f32 v11, v8  }
0x21: {  	s26 =	simm.s32 $0x8;
	v11 =	vsel vm0, s25, v13;
	vm0 =	vlt.f32 v12, v8;
	v8 =	vmin.f32 v12, v8;
	v12 =	vld [tilespmem:s13+$0x50]  }
0x22: {  	s15 =	sadd.s32 $0x800, s13;
	s28 =	simm.s32 $0x9;
	v13 =	vld [tilespmem:s13+$0x60];
	v11 =	vsel vm0, s26, v11;
	vm0 =	vlt.f32 v14, v8;
	v8 =	vmin.f32 v14, v8  }
0x23: {  	s29 =	simm.s32 $0xA;
	v7 =	vld [tilespmem:s15+$0xFFFFFC50];
	v14 =	vsel vm0, s28, v11;
	vm0 =	vlt.f32 v9, v8;
	v8 =	vmin.f32 v9, v8  }
0x24: {  	s30 =	simm.s32 $0xB;
	v11 =	vld [tilespmem:s15+$0xFFFFFC00];
	v14 =	vsel vm0, s29, v14;
	vm0 =	vlt.f32 v10, v8;
	v8 =	vmin.f32 v10, v8  }
0x25: {  	s31 =	simm.s32 $0xC;
	v9 =	vld [tilespmem:s15+$0xFFFFFC10];
	v10 =	vsel vm0, s30, v14;
	vm0 =	vlt.f32 v15, v8;
	v14 =	vmin.f32 v15, v8  }
0x26: {  	s18 =	simm.s32 $0xD;
	v8 =	vld [tilespmem:s15+$0xFFFFFC20];
	v15 =	vsel vm0, s31, v10;
	vm0 =	vlt.f32 v12, v14;
	v12 =	vmin.f32 v12, v14  }
0x27: {  	s17 =	simm.s32 $0xF;
	s16 =	simm.s32 $0x1F;
	s21 =	simm.s32 $0xE;
	v10 =	vld [tilespmem:s15+$0xFFFFFC30];
	v14 =	vsel vm0, s18, v15;
	vm0 =	vlt.f32 v13, v12;
	v15 =	vmin.f32 v13, v12  }
0x28: {  	s19 =	simm.s32 $0x2F;
	s20 =	sadd.s32 $0x800, s15;
	s18 =	simm.s32 $0x10;
	v12 =	vld [tilespmem:s15+$0xFFFFFC40];
	v13 =	vsel vm0, s21, v14;
	vm0 =	vlt.f32 v16, v15;
	v14 =	vmin.f32 v16, v15  }
.LBB2_3:
0x29: {  	s21 =	sadd.s32 $0xFFFFFFF1, s19;
	p0 =	sne.s32 s19, $0xFF  }
0x2a: {  	v15 =	vld [tilespmem:s20+$0xFFFFFC50];
	vm1 =	vlt.f32 v11, v14;
	v11 =	vmin.f32 v11, v14;
	v13 =	vsel vm0, s17, v13;
	s17 =	smov.u32 s16;
	s16 =	smov.u32 s19;
	s19 =	sadd.s32 $0x10, s19  }
0x2b: {  	v13 =	vsel vm1, s18, v13;
	s22 =	sadd.s32 $0xFFFFFFF2, s17;
	vm0 =	vlt.f32 v9, v11;
	v9 =	vmin.f32 v9, v11;
	v11 =	vld [tilespmem:s15+$0xFFFFFC60];
	s18 =	smov.u32 s21  }
0x2c: {  	s21 =	sadd.s32 $0xFFFFFFF3, s17;
	v13 =	vsel vm0, s22, v13;
	vm0 =	vlt.f32 v8, v9;
	v8 =	vmin.f32 v8, v9;
	v9 =	vld [tilespmem:s15+$0xFFFFFC70]  }
0x2d: {  	v13 =	vsel vm0, s21, v13;
	s21 =	sadd.s32 $0xFFFFFFF4, s17;
	vm0 =	vlt.f32 v10, v8;
	v8 =	vmin.f32 v10, v8;
	v10 =	vld [tilespmem:s15+$0x0]  }
0x2e: {  	v13 =	vsel vm0, s21, v13;
	s21 =	sadd.s32 $0xFFFFFFF5, s17;
	vm0 =	vlt.f32 v12, v8;
	v8 =	vmin.f32 v12, v8;
	v12 =	vld [tilespmem:s15+$0x10]  }
0x2f: {  	v13 =	vsel vm0, s21, v13;
	s21 =	sadd.s32 $0xFFFFFFF6, s17;
	vm0 =	vlt.f32 v7, v8;
	v8 =	vmin.f32 v7, v8;
	v14 =	vld [tilespmem:s15+$0x20];
	v7 =	vmovc v15  }
0x30: {  	v13 =	vsel vm0, s21, v13;
	s21 =	sadd.s32 $0xFFFFFFF7, s17;
	vm0 =	vlt.f32 v11, v8;
	v8 =	vmin.f32 v11, v8;
	v15 =	vld [tilespmem:s15+$0x30]  }
0x31: {  	v11 =	vsel vm0, s21, v13;
	s21 =	sadd.s32 $0xFFFFFFF8, s17;
	vm0 =	vlt.f32 v9, v8;
	v8 =	vmin.f32 v9, v8;
	v13 =	vld [tilespmem:s15+$0x40]  }
0x32: {  	v9 =	vsel vm0, s21, v11;
	s21 =	sadd.s32 $0xFFFFFFF9, s17;
	vm0 =	vlt.f32 v10, v8;
	v8 =	vmin.f32 v10, v8;
	v10 =	vld [tilespmem:s15+$0x50]  }
0x33: {  	v9 =	vsel vm0, s21, v9;
	s21 =	sadd.s32 $0xFFFFFFFA, s17;
	vm0 =	vlt.f32 v12, v8;
	v8 =	vmin.f32 v12, v8;
	v12 =	vld [tilespmem:s15+$0x60]  }
0x34: {  	v9 =	vsel vm0, s21, v9;
	s21 =	sadd.s32 $0xFFFFFFFB, s17;
	vm0 =	vlt.f32 v14, v8;
	v8 =	vmin.f32 v14, v8;
	v14 =	vld [tilespmem:s15+$0x70];
	s15 =	smov.u32 s20  }
.Ltmp0:
0x35: {  	v11 =	vld [tilespmem:s20+$0xFFFFFC00];
	v16 =	vsel vm0, s21, v9;
	s21 =	sadd.s32 $0xFFFFFFFC, s17;
	vm0 =	vlt.f32 v15, v8;
	v8 =	vmin.f32 v15, v8;
	(pc) =	sbr.rel @p0 .LBB2_3-.Ltmp0, $4  }
0x36: {  	v9 =	vld [tilespmem:s20+$0xFFFFFC10];
	v15 =	vsel vm0, s21, v16;
	s21 =	sadd.s32 $0xFFFFFFFD, s17;
	vm0 =	vlt.f32 v13, v8;
	v13 =	vmin.f32 v13, v8  }
0x37: {  	v8 =	vld [tilespmem:s20+$0xFFFFFC20];
	v15 =	vsel vm0, s21, v15;
	s21 =	sadd.s32 $0xFFFFFFFE, s17;
	vm0 =	vlt.f32 v10, v13;
	v13 =	vmin.f32 v10, v13  }
0x38: {  	v10 =	vld [tilespmem:s20+$0xFFFFFC30];
	v15 =	vsel vm0, s21, v15;
	s21 =	sadd.s32 $0xFFFFFFFF, s17;
	vm0 =	vlt.f32 v12, v13;
	v16 =	vmin.f32 v12, v13  }
0x39: {  	s20 =	sadd.s32 $0x800, s20;
	v12 =	vld [tilespmem:s15+$0xFFFFFC40];
	v13 =	vsel vm0, s21, v15;
	vm0 =	vlt.f32 v14, v16;
	v14 =	vmin.f32 v14, v16  }
0x3a: {  	vm1 =	vlt.f32 v11, v14;
	v49 =	vmin.f32 v11, v14;
	v13 =	vsel vm0, s17, v13  }
0x3b: {  	s31 =	sadd.s32 $0xFFFFFFF2, s16;
	v51 =	vld [tilespmem:s15+$0xFFFFFC60];
	v13 =	vsel vm1, s18, v13;
	vm13 =	vlt.f32 v9, v49;
	v50 =	vmin.f32 v9, v49  }
0x3c: {  	v52 =	vld [tilespmem:s15+$0xFFFFFC70];
	s18 =	sadd.s32 $0xFFFFFFF3, s16;
	v13 =	vsel vm13, s31, v13;
	vm14 =	vlt.f32 v8, v50;
	v8 =	vmin.f32 v8, v50  }
0x3d: {  	s19 =	sadd.s32 $0xFFFFFFF4, s16;
	v53 =	vld [tilespmem:s15+$0x0];
	v13 =	vsel vm14, s18, v13;
	vm15 =	vlt.f32 v10, v8;
	v8 =	vmin.f32 v10, v8  }
0x3e: {  	s20 =	sadd.s32 $0xFFFFFFF5, s16;
	v54 =	vld [tilespmem:s15+$0x10];
	v13 =	vsel vm15, s19, v13;
	vm4 =	vlt.f32 v12, v8;
	v8 =	vmin.f32 v12, v8  }
0x3f: {  	s21 =	sadd.s32 $0xFFFFFFF6, s16;
	v13 =	vsel vm4, s20, v13;
	vm5 =	vlt.f32 v7, v8;
	v7 =	vmin.f32 v7, v8;
	v8 =	vld [tilespmem:s15+$0x20]  }
0x40: {  	s22 =	sadd.s32 $0xFFFFFFF7, s16;
	v55 =	vld [tilespmem:s15+$0x30];
	v13 =	vsel vm5, s21, v13;
	vm6 =	vlt.f32 v51, v7;
	v7 =	vmin.f32 v51, v7  }
0x41: {  	s23 =	sadd.s32 $0xFFFFFFF8, s16;
	v56 =	vld [tilespmem:s15+$0x40];
	v13 =	vsel vm6, s22, v13;
	vm7 =	vlt.f32 v52, v7;
	v7 =	vmin.f32 v52, v7  }
0x42: {  	s24 =	sadd.s32 $0xFFFFFFF9, s16;
	v57 =	vld [tilespmem:s15+$0x50];
	v13 =	vsel vm7, s23, v13;
	vm8 =	vlt.f32 v53, v7;
	v7 =	vmin.f32 v53, v7  }
0x43: {  	s25 =	sadd.s32 $0xFFFFFFFA, s16;
	v58 =	vld [tilespmem:s15+$0x60];
	v13 =	vsel vm8, s24, v13;
	vm9 =	vlt.f32 v54, v7;
	v7 =	vmin.f32 v54, v7  }
0x44: {  	s26 =	sadd.s32 $0xFFFFFFFB, s16;
	v13 =	vsel vm9, s25, v13;
	vm10 =	vlt.f32 v8, v7;
	v7 =	vmin.f32 v8, v7;
	v8 =	vld [tilespmem:s15+$0x70]  }
0x45: {  	s28 =	sadd.s32 $0xFFFFFFFC, s16;
	v13 =	vsel vm10, s26, v13;
	vm11 =	vlt.f32 v55, v7;
	v7 =	vmin.f32 v55, v7  }
0x46: {  	s29 =	sadd.s32 $0xFFFFFFFD, s16;
	v59 =	vsel vm11, s28, v13;
	vm12 =	vlt.f32 v56, v7;
	v7 =	vmin.f32 v56, v7  }
0x47: {  	s30 =	sadd.s32 $0xFFFFFFFE, s16;
	v60 =	vsel vm12, s29, v59;
	vm13 =	vlt.f32 v57, v7;
	v7 =	vmin.f32 v57, v7  }
0x48: {  	s31 =	sadd.s32 $0xFFFFFFFF, s16;
	v9 =	vsel vm13, s30, v60;
	vm14 =	vlt.f32 v58, v7;
	v7 =	vmin.f32 v58, v7  }
0x49: {  	v9 =	vsel vm14, s31, v9;
	vm15 =	vlt.f32 v8, v7  }
0x4a: {  	v9 =	vsel vm15, s16, v9  }
0x4b: {  	v9 =	vshll.u32 v9, $0x4  }
0x4c: {  	v7 =	vmin.f32 v8, v7;
	v8 =	vor.u32 v0, v9  }
0x4d: {  	v61 =	vperm.xlane v7, v1;
	v62 =	vperm.xlane v8, v1;
	_ =	sdelay $0x1  }
0x4e: {  	vm4 =	veq.f32 v61, v7;
	vm5 =	vlt.s32 v62, v8  }
0x4f: {  	vm2 =	vlt.f32 v61, v7;
	vm0 =	vmand vm4, vm5  }
0x50: {  	vm0 =	vmor vm2, vm0  }
0x51: {  	v7 =	vsel vm0, v61, v7;
	v8 =	vsel vm0, v62, v8  }
0x52: {  	v9 =	vperm.xlane v7, v2;
	v10 =	vperm.xlane v8, v2;
	_ =	sdelay $0x1  }
0x53: {  	vm6 =	veq.f32 v9, v7;
	vm7 =	vlt.s32 v10, v8  }
0x54: {  	vm8 =	vlt.f32 v9, v7;
	vm0 =	vmand vm6, vm7  }
0x55: {  	vm0 =	vmor vm8, vm0  }
0x56: {  	v7 =	vsel vm0, v9, v7;
	v8 =	vsel vm0, v10, v8  }
0x57: {  	v9 =	vperm.xlane v7, v3;
	v10 =	vperm.xlane v8, v3;
	_ =	sdelay $0x1  }
0x58: {  	vm9 =	veq.f32 v9, v7;
	vm10 =	vlt.s32 v10, v8  }
0x59: {  	vm11 =	vlt.f32 v9, v7;
	vm0 =	vmand vm9, vm10  }
0x5a: {  	vm0 =	vmor vm11, vm0  }
0x5b: {  	v7 =	vsel vm0, v9, v7;
	v8 =	vsel vm0, v10, v8  }
0x5c: {  	v63 =	vmov s14;
	s14 =	sadd.s32 $0x1, s14;
	v9 =	vperm.xlane v7, v4;
	v10 =	vperm.xlane v8, v4  }
0x5d: {  	p0 =	sne.s32 s14, $0x8  }
.Ltmp1:
0x5e: {  	vm12 =	veq.f32 v9, v7;
	vm13 =	vlt.s32 v10, v8;
	(pc) =	sbr.rel @p0 .LBB2_2-.Ltmp1, $4  }
0x5f: {  	vm14 =	vlt.f32 v9, v7;
	vm0 =	vmand vm12, vm13  }
0x60: {  	vm0 =	vmor vm14, vm0  }
0x61: {  	vm15 =	veq.s32 v63, v0;
	v7 =	vsel vm0, v10, v8  }
0x62: {  	s13 =	sadd.s32 $0x80, s13;
	v5 =	vsel vm15, v7, v5  }
0x63: {  	_ =	swait.ge [sflag:s9], $0x8000  }
0x64: {  	[sflag:s9] =	ssyncset.done $0x0  }
0x65: {  	s13 =	simm.s32 $0x0;
	s14 =	simm.s32 $0x8000;
	[sflag:s9] =	ssyncadd.s32 $0xFFFF8000  }
.LBB2_6:
0x66: {  	v7 =	vld [tilespmem:s14+$0x50]  }
0x67: {  	v8 =	vld [tilespmem:s14+$0x0]  }
0x68: {  	v9 =	vld [tilespmem:s14+$0x10]  }
0x69: {  	v10 =	vld [tilespmem:s14+$0x20]  }
0x6a: {  	v11 =	vld [tilespmem:s14+$0x30]  }
0x6b: {  	v12 =	vimm.f32 $+Inf;
	v13 =	vld [tilespmem:s14+$0x40]  }
0x6c: {  	v14 =	vimm.s32 $0x40000000;
	s16 =	simm.s32 $0x0;
	v15 =	vld [tilespmem:s14+$0x470];
	vm0 =	vlt.f32 v8, v12;
	v8 =	vmin.f32 v8, v12  }
0x6d: {  	s19 =	simm.s32 $0x1;
	v12 =	vsel vm0, s16, v14;
	vm0 =	vlt.f32 v9, v8;
	v8 =	vmin.f32 v9, v8;
	v9 =	vld [tilespmem:s14+$0x60]  }
0x6e: {  	s20 =	simm.s32 $0x2;
	v12 =	vsel vm0, s19, v12;
	vm0 =	vlt.f32 v10, v8;
	v8 =	vmin.f32 v10, v8;
	v10 =	vld [tilespmem:s14+$0x70]  }
0x6f: {  	s21 =	simm.s32 $0x3;
	v12 =	vsel vm0, s20, v12;
	vm0 =	vlt.f32 v11, v8;
	v8 =	vmin.f32 v11, v8;
	v11 =	vld [tilespmem:s14+$0x400]  }
0x70: {  	s22 =	simm.s32 $0x4;
	v12 =	vsel vm0, s21, v12;
	vm0 =	vlt.f32 v13, v8;
	v8 =	vmin.f32 v13, v8;
	v13 =	vld [tilespmem:s14+$0x410]  }
0x71: {  	s23 =	simm.s32 $0x5;
	v12 =	vsel vm0, s22, v12;
	vm0 =	vlt.f32 v7, v8;
	v7 =	vmin.f32 v7, v8;
	v8 =	vld [tilespmem:s14+$0x420]  }
0x72: {  	s24 =	simm.s32 $0x6;
	v12 =	vsel vm0, s23, v12;
	vm0 =	vlt.f32 v9, v7;
	v7 =	vmin.f32 v9, v7;
	v9 =	vld [tilespmem:s14+$0x430]  }
0x73: {  	s25 =	simm.s32 $0x7;
	v14 =	vld [tilespmem:s14+$0x440];
	v12 =	vsel vm0, s24, v12;
	vm0 =	vlt.f32 v10, v7;
	v7 =	vmin.f32 v10, v7  }
0x74: {  	s26 =	simm.s32 $0x8;
	v10 =	vsel vm0, s25, v12;
	vm0 =	vlt.f32 v11, v7;
	v7 =	vmin.f32 v11, v7;
	v11 =	vld [tilespmem:s14+$0x450]  }
0x75: {  	s15 =	sadd.s32 $0x800, s14;
	s28 =	simm.s32 $0x9;
	v12 =	vld [tilespmem:s14+$0x460];
	v10 =	vsel vm0, s26, v10;
	vm0 =	vlt.f32 v13, v7;
	v7 =	vmin.f32 v13, v7  }
0x76: {  	s29 =	simm.s32 $0xA;
	v6 =	vld [tilespmem:s15+$0x50];
	v13 =	vsel vm0, s28, v10;
	vm0 =	vlt.f32 v8, v7;
	v7 =	vmin.f32 v8, v7  }
0x77: {  	s30 =	simm.s32 $0xB;
	v10 =	vld [tilespmem:s15+$0x0];
	v13 =	vsel vm0, s29, v13;
	vm0 =	vlt.f32 v9, v7;
	v7 =	vmin.f32 v9, v7  }
0x78: {  	s31 =	simm.s32 $0xC;
	v8 =	vld [tilespmem:s15+$0x10];
	v9 =	vsel vm0, s30, v13;
	vm0 =	vlt.f32 v14, v7;
	v13 =	vmin.f32 v14, v7  }
0x79: {  	s18 =	simm.s32 $0xD;
	v7 =	vld [tilespmem:s15+$0x20];
	v14 =	vsel vm0, s31, v9;
	vm0 =	vlt.f32 v11, v13;
	v11 =	vmin.f32 v11, v13  }
0x7a: {  	s17 =	simm.s32 $0xF;
	s16 =	simm.s32 $0x1F;
	s21 =	simm.s32 $0xE;
	v9 =	vld [tilespmem:s15+$0x30];
	v13 =	vsel vm0, s18, v14;
	vm0 =	vlt.f32 v12, v11;
	v14 =	vmin.f32 v12, v11  }
0x7b: {  	s19 =	simm.s32 $0x2F;
	s20 =	sadd.s32 $0x800, s15;
	s18 =	simm.s32 $0x10;
	v11 =	vld [tilespmem:s15+$0x40];
	v12 =	vsel vm0, s21, v13;
	vm0 =	vlt.f32 v15, v14;
	v13 =	vmin.f32 v15, v14  }
.LBB2_7:
0x7c: {  	s21 =	sadd.s32 $0xFFFFFFF1, s19;
	p0 =	sne.s32 s19, $0xFF  }
0x7d: {  	v14 =	vld [tilespmem:s20+$0x50];
	vm1 =	vlt.f32 v10, v13;
	v10 =	vmin.f32 v10, v13;
	v12 =	vsel vm0, s17, v12;
	s17 =	smov.u32 s16;
	s16 =	smov.u32 s19;
	s19 =	sadd.s32 $0x10, s19  }
0x7e: {  	v12 =	vsel vm1, s18, v12;
	s22 =	sadd.s32 $0xFFFFFFF2, s17;
	vm0 =	vlt.f32 v8, v10;
	v8 =	vmin.f32 v8, v10;
	v10 =	vld [tilespmem:s15+$0x60];
	s18 =	smov.u32 s21  }
0x7f: {  	s21 =	sadd.s32 $0xFFFFFFF3, s17;
	v12 =	vsel vm0, s22, v12;
	vm0 =	vlt.f32 v7, v8;
	v7 =	vmin.f32 v7, v8;
	v8 =	vld [tilespmem:s15+$0x70]  }
0x80: {  	v12 =	vsel vm0, s21, v12;
	s21 =	sadd.s32 $0xFFFFFFF4, s17;
	vm0 =	vlt.f32 v9, v7;
	v7 =	vmin.f32 v9, v7;
	v9 =	vld [tilespmem:s15+$0x400]  }
0x81: {  	v12 =	vsel vm0, s21, v12;
	s21 =	sadd.s32 $0xFFFFFFF5, s17;
	vm0 =	vlt.f32 v11, v7;
	v7 =	vmin.f32 v11, v7;
	v11 =	vld [tilespmem:s15+$0x410]  }
0x82: {  	v12 =	vsel vm0, s21, v12;
	s21 =	sadd.s32 $0xFFFFFFF6, s17;
	vm0 =	vlt.f32 v6, v7;
	v7 =	vmin.f32 v6, v7;
	v13 =	vld [tilespmem:s15+$0x420];
	v6 =	vmovc v14  }
0x83: {  	v12 =	vsel vm0, s21, v12;
	s21 =	sadd.s32 $0xFFFFFFF7, s17;
	vm0 =	vlt.f32 v10, v7;
	v7 =	vmin.f32 v10, v7;
	v14 =	vld [tilespmem:s15+$0x430]  }
0x84: {  	v10 =	vsel vm0, s21, v12;
	s21 =	sadd.s32 $0xFFFFFFF8, s17;
	vm0 =	vlt.f32 v8, v7;
	v7 =	vmin.f32 v8, v7;
	v12 =	vld [tilespmem:s15+$0x440]  }
0x85: {  	v8 =	vsel vm0, s21, v10;
	s21 =	sadd.s32 $0xFFFFFFF9, s17;
	vm0 =	vlt.f32 v9, v7;
	v7 =	vmin.f32 v9, v7;
	v9 =	vld [tilespmem:s15+$0x450]  }
0x86: {  	v8 =	vsel vm0, s21, v8;
	s21 =	sadd.s32 $0xFFFFFFFA, s17;
	vm0 =	vlt.f32 v11, v7;
	v7 =	vmin.f32 v11, v7;
	v11 =	vld [tilespmem:s15+$0x460]  }
0x87: {  	v8 =	vsel vm0, s21, v8;
	s21 =	sadd.s32 $0xFFFFFFFB, s17;
	vm0 =	vlt.f32 v13, v7;
	v7 =	vmin.f32 v13, v7;
	v13 =	vld [tilespmem:s15+$0x470];
	s15 =	smov.u32 s20  }
.Ltmp2:
0x88: {  	v10 =	vld [tilespmem:s20+$0x0];
	v15 =	vsel vm0, s21, v8;
	s21 =	sadd.s32 $0xFFFFFFFC, s17;
	vm0 =	vlt.f32 v14, v7;
	v7 =	vmin.f32 v14, v7;
	(pc) =	sbr.rel @p0 .LBB2_7-.Ltmp2, $4  }
0x89: {  	v8 =	vld [tilespmem:s20+$0x10];
	v14 =	vsel vm0, s21, v15;
	s21 =	sadd.s32 $0xFFFFFFFD, s17;
	vm0 =	vlt.f32 v12, v7;
	v12 =	vmin.f32 v12, v7  }
0x8a: {  	v7 =	vld [tilespmem:s20+$0x20];
	v14 =	vsel vm0, s21, v14;
	s21 =	sadd.s32 $0xFFFFFFFE, s17;
	vm0 =	vlt.f32 v9, v12;
	v12 =	vmin.f32 v9, v12  }
0x8b: {  	v9 =	vld [tilespmem:s20+$0x30];
	v14 =	vsel vm0, s21, v14;
	s21 =	sadd.s32 $0xFFFFFFFF, s17;
	vm0 =	vlt.f32 v11, v12;
	v15 =	vmin.f32 v11, v12  }
0x8c: {  	s20 =	sadd.s32 $0x800, s20;
	v11 =	vld [tilespmem:s15+$0x40];
	v12 =	vsel vm0, s21, v14;
	vm0 =	vlt.f32 v13, v15;
	v13 =	vmin.f32 v13, v15  }
0x8d: {  	vm1 =	vlt.f32 v10, v13;
	v50 =	vmin.f32 v10, v13;
	v12 =	vsel vm0, s17, v12  }
0x8e: {  	s30 =	sadd.s32 $0xFFFFFFF2, s16;
	v52 =	vld [tilespmem:s15+$0x60];
	v12 =	vsel vm1, s18, v12;
	vm13 =	vlt.f32 v8, v50;
	v51 =	vmin.f32 v8, v50  }
0x8f: {  	s31 =	sadd.s32 $0xFFFFFFF3, s16;
	v53 =	vld [tilespmem:s15+$0x70];
	v12 =	vsel vm13, s30, v12;
	vm14 =	vlt.f32 v7, v51;
	v7 =	vmin.f32 v7, v51  }
0x90: {  	v54 =	vld [tilespmem:s15+$0x400];
	s18 =	sadd.s32 $0xFFFFFFF4, s16;
	v12 =	vsel vm14, s31, v12;
	vm15 =	vlt.f32 v9, v7;
	v7 =	vmin.f32 v9, v7  }
0x91: {  	s19 =	sadd.s32 $0xFFFFFFF5, s16;
	v55 =	vld [tilespmem:s15+$0x410];
	v12 =	vsel vm15, s18, v12;
	vm4 =	vlt.f32 v11, v7;
	v7 =	vmin.f32 v11, v7  }
0x92: {  	s20 =	sadd.s32 $0xFFFFFFF6, s16;
	v12 =	vsel vm4, s19, v12;
	vm5 =	vlt.f32 v6, v7;
	v6 =	vmin.f32 v6, v7;
	v7 =	vld [tilespmem:s15+$0x420]  }
0x93: {  	s21 =	sadd.s32 $0xFFFFFFF7, s16;
	v56 =	vld [tilespmem:s15+$0x430];
	v12 =	vsel vm5, s20, v12;
	vm6 =	vlt.f32 v52, v6;
	v6 =	vmin.f32 v52, v6  }
0x94: {  	s22 =	sadd.s32 $0xFFFFFFF8, s16;
	v57 =	vld [tilespmem:s15+$0x440];
	v12 =	vsel vm6, s21, v12;
	vm7 =	vlt.f32 v53, v6;
	v6 =	vmin.f32 v53, v6  }
0x95: {  	s23 =	sadd.s32 $0xFFFFFFF9, s16;
	v58 =	vld [tilespmem:s15+$0x450];
	v12 =	vsel vm7, s22, v12;
	vm8 =	vlt.f32 v54, v6;
	v6 =	vmin.f32 v54, v6  }
0x96: {  	s24 =	sadd.s32 $0xFFFFFFFA, s16;
	v59 =	vld [tilespmem:s15+$0x460];
	v12 =	vsel vm8, s23, v12;
	vm9 =	vlt.f32 v55, v6;
	v6 =	vmin.f32 v55, v6  }
0x97: {  	s25 =	sadd.s32 $0xFFFFFFFB, s16;
	v12 =	vsel vm9, s24, v12;
	vm10 =	vlt.f32 v7, v6;
	v6 =	vmin.f32 v7, v6;
	v7 =	vld [tilespmem:s15+$0x470]  }
0x98: {  	s26 =	sadd.s32 $0xFFFFFFFC, s16;
	v12 =	vsel vm10, s25, v12;
	vm11 =	vlt.f32 v56, v6;
	v6 =	vmin.f32 v56, v6  }
0x99: {  	s28 =	sadd.s32 $0xFFFFFFFD, s16;
	v60 =	vsel vm11, s26, v12;
	vm12 =	vlt.f32 v57, v6;
	v6 =	vmin.f32 v57, v6  }
0x9a: {  	s29 =	sadd.s32 $0xFFFFFFFE, s16;
	v61 =	vsel vm12, s28, v60;
	vm13 =	vlt.f32 v58, v6;
	v6 =	vmin.f32 v58, v6  }
0x9b: {  	s30 =	sadd.s32 $0xFFFFFFFF, s16;
	v8 =	vsel vm13, s29, v61;
	vm14 =	vlt.f32 v59, v6;
	v6 =	vmin.f32 v59, v6  }
0x9c: {  	v8 =	vsel vm14, s30, v8;
	vm15 =	vlt.f32 v7, v6  }
0x9d: {  	v8 =	vsel vm15, s16, v8  }
0x9e: {  	v8 =	vshll.u32 v8, $0x4  }
0x9f: {  	v6 =	vmin.f32 v7, v6;
	v7 =	vor.u32 v0, v8  }
0xa0: {  	v62 =	vperm.xlane v6, v1;
	v63 =	vperm.xlane v7, v1;
	_ =	sdelay $0x1  }
0xa1: {  	vm4 =	veq.f32 v62, v6;
	vm5 =	vlt.s32 v63, v7  }
0xa2: {  	vm2 =	vlt.f32 v62, v6;
	vm0 =	vmand vm4, vm5  }
0xa3: {  	vm0 =	vmor vm2, vm0  }
0xa4: {  	v6 =	vsel vm0, v62, v6;
	v7 =	vsel vm0, v63, v7  }
0xa5: {  	v8 =	vperm.xlane v6, v2;
	v9 =	vperm.xlane v7, v2;
	_ =	sdelay $0x1  }
0xa6: {  	vm6 =	veq.f32 v8, v6;
	vm7 =	vlt.s32 v9, v7  }
0xa7: {  	vm8 =	vlt.f32 v8, v6;
	vm0 =	vmand vm6, vm7  }
0xa8: {  	vm0 =	vmor vm8, vm0  }
0xa9: {  	v6 =	vsel vm0, v8, v6;
	v7 =	vsel vm0, v9, v7  }
0xaa: {  	v8 =	vperm.xlane v6, v3;
	v9 =	vperm.xlane v7, v3;
	_ =	sdelay $0x1  }
0xab: {  	vm9 =	veq.f32 v8, v6;
	vm10 =	vlt.s32 v9, v7  }
0xac: {  	vm11 =	vlt.f32 v8, v6;
	vm0 =	vmand vm9, vm10  }
0xad: {  	vm0 =	vmor vm11, vm0  }
0xae: {  	v6 =	vsel vm0, v8, v6;
	v7 =	vsel vm0, v9, v7  }
0xaf: {  	s31 =	sor.u32 $0x8, s13;
	s13 =	sadd.s32 $0x1, s13;
	v8 =	vperm.xlane v6, v4;
	v9 =	vperm.xlane v7, v4  }
0xb0: {  	p0 =	sne.s32 s13, $0x8  }
.Ltmp3:
0xb1: {  	vm12 =	veq.f32 v8, v6;
	vm13 =	vlt.s32 v9, v7;
	(pc) =	sbr.rel @p0 .LBB2_6-.Ltmp3, $4  }
0xb2: {  	vm14 =	vlt.f32 v8, v6;
	vm0 =	vmand vm12, vm13  }
0xb3: {  	v6 =	vmov s31;
	vm0 =	vmor vm14, vm0  }
0xb4: {  	vm15 =	veq.s32 v6, v0;
	v6 =	vsel vm0, v9, v7  }
0xb5: {  	s14 =	sadd.s32 $0x80, s14;
	v5 =	vsel vm15, v6, v5  }
0xb6: {  	s12 =	sadd.s32 $0x1, s12  }
0xb7: {  	p0 =	sne.s32 s12, s6  }
.Ltmp4:
0xb8: {  	[tilespmem:$0x10000] =	vst v5;
	(pc) =	sbr.rel @p0 .LBB2_1-.Ltmp4, $4  }
0xb9: {  	[hbm4b:s5+s2] =	stream.linear.scatter [tilespmem:s10], [sflag:$0x3], $0x10, $0x38;
	[tilespmem:$0x10080] =	vst v63  }
0xba: {  	_ =	swait.ge [sflag:s11], $0x10  }
0xbb: {  	[sflag:s11] =	ssyncset.done $0x0  }
0xbc: {  	[sflag:s11] =	ssyncadd.s32 $0xFFFFFFF0  }
0xbd: {  	_ =	sfence.sel $0x180000  }
0xbe: {  	[bflag:$0x0] =	sbarrier.arrive $0xFFFF  }
0xbf: {  	p0 =	sne.s32 s0, $0x0;
	_ =	strace $0x90000047  }
0xc0: {  	s0 =	sadd.s32 @!p0 $0x100000, s1;
	[bflag:$0x2] =	sbarrier.arrive $0xFFFF  }
0xc1: {  	[sflag:s0] =	ssyncadd.tile.s32 @!p0 $0x1;
	_ =	shalt  }
.Lfunc_end2:
_tile_overlayer_lowered:
.L_overlay_start_2:
0xc2: {  	(tag) =	ssettag $0x2  }
0xc3: {  	s0 =	rddreg [dreg:$0x0];
	s2 =	stileid.u32  }
0xc4: {  	s1 =	rddreg [dreg:$0x1];
	p0 =	sne.s32 s2, $0x0  }
0xc5: {  	s3 =	rddreg [dreg:$0x2];
	[bflag:$0x3] =	sbarrier.arrive $0xFFFF;
	s2 =	simm.s32 @!p0 $0x1C03  }
0xc6: {  	[timem:s3], [sflag:s2] =	dma.local @!p0 [hbm:s0], s1  }
0xc7: {  	s0 =	simm.s32 @!p0 $0x3  }
0xc8: {  	_ =	swait.ge @!p0 [sflag:s0], s1  }
0xc9: {  	s1 =	ssub.s32 @!p0 $0x0, s1;
	[sflag:s0] =	ssyncset.done @!p0 $0x0  }
0xca: {  	[sflag:s0] =	ssyncadd.s32 @!p0 s1  }
0xcb: {  	[bflag:$0x3] =	sbarrier.arrive $0xFFFF  }
0xcc: {  	_ =	shalt  }

</sc_bundles>
